<compile_context>
chip_gen: v7x
topology: tpu7x:2x2x1
jax: 0.10.2.dev20260603
libtpu: 0.0.44.dev20260713+nightly
codegen_flags: <defaults>
</compile_context>

<pallas_src>
import functools

import jax
import jax.numpy as jnp
from jax import lax
from jax.experimental import pallas as pl
from jax.experimental.pallas import tpu as pltpu
from jax.experimental.pallas import tpu_sc as plsc

_B = 16384
_J = 10
_K = 16
_NC = 2
_NS = 16
_NW = _NC * _NS
_BPW = _B // _NW


def _sc_body(x_hbm, out_hbm, xv, outv):
    c = lax.axis_index("c")
    s = lax.axis_index("s")
    wid = s * _NC + c
    base = wid * _BPW

    pltpu.sync_copy(x_hbm.at[:, pl.ds(base, _BPW)], xv)

    def _block(g, carry):
        col = g * 16
        best = jnp.full((16,), -1.0, jnp.float32)
        bjv = jnp.zeros((16,), jnp.int32)
        for j in range(_J):
            acc = None
            for k in range(_K):
                v = xv[j * _K + k, pl.ds(col, 16)]
                sq = v * v
                acc = sq if acc is None else acc + sq
            p = acc > best
            best = jnp.where(p, acc, best)
            bjv = jnp.where(p, jnp.int32(j), bjv)
        q = g // 8
        bi = (g % 8) * 16
        for j in range(16):
            if j < _J:
                vec = jnp.where(bjv == j, jnp.float32(1.0), jnp.float32(0.0))
            else:
                vec = jnp.zeros((16,), jnp.float32)
            outv[j // 8, q, j % 8, pl.ds(bi, 16)] = vec
        return carry

    lax.fori_loop(0, _BPW // 16, _block, 0)

    pltpu.sync_copy(outv, out_hbm.at[:, pl.ds(base // 128, _BPW // 128), :, :])


_decoder_sc = functools.partial(
    pl.kernel,
    mesh=plsc.VectorSubcoreMesh(core_axis_name="c", subcore_axis_name="s"),
    out_type=jax.ShapeDtypeStruct((2, _B // 128, 8, 128), jnp.float32),
    scratch_types=[
        pltpu.VMEM((_J * _K, _BPW), jnp.float32),
        pltpu.VMEM((2, _BPW // 128, 8, 128), jnp.float32),
    ],
    compiler_params=pltpu.CompilerParams(
        needs_layout_passes=False,
        use_tc_tiling_on_sc=False,
    ),
)(_sc_body)


def kernel(x, data):
    del data
    xt = jnp.transpose(x, (1, 2, 3, 0)).reshape(_J * _K, _B)
    o = _decoder_sc(xt)
    return o.transpose(1, 3, 0, 2).reshape(_B, 16)[:, :_J]

# --- scband reference (transcript-rebuilt; emitter-appended) ---
"""Pipeline reference for scband-decoder-42597485642005 (READ-ONLY COPY).

The authoritative reference and input builder live on the scoring server;
editing this copy changes nothing except your own understanding.
"""

import jax, jax.numpy as jnp
import numpy as np


def setup_inputs(seed: int = 0) -> dict:
    key = jax.random.key(seed)
    k1, k2 = jax.random.split(key)
    x = jax.random.normal(k1, (16384, 10, 16, 1), dtype=jnp.float32)
    data = jax.random.uniform(k2, (16384, 784), dtype=jnp.float32)
    return {"x": x, "data": data}


def reference(x, data):
    # classes = sqrt((x**2).sum(2)) -> [B, 10, 1]
    classes = jnp.sqrt(jnp.sum(x ** 2, axis=2))
    # softmax over capsule-class dim
    classes = jax.nn.softmax(classes, axis=1)
    # max over dim=1 -> indices [B, 1], then squeeze -> [B]
    max_length_indices = jnp.argmax(classes, axis=1)
    max_length_indices = jnp.squeeze(max_length_indices, axis=1)
    # eye(10).index_select(0, idx) -> one-hot gather [B, 10]
    eye = jnp.eye(10, dtype=jnp.float32)
    masked = jnp.take(eye, max_length_indices, axis=0)
    return masked

if __name__ == "__main__":
    import jax
    _d = setup_inputs()
    print(jax.jit(kernel)(*tuple(_d.values())))

</pallas_src>

<mosaic_0001>
#map = affine_map<(d0, d1) -> (0, 0)>
#map1 = affine_map<(d0, d1) -> (0, 0, 0, 0)>
module attributes {stable_mosaic.version = 14 : i64} {
  func.func @_sc_body(%arg0: i32, %arg1: i32, %arg2: memref<160x16384xf32, #tpu.memory_space<hbm>>, %arg3: memref<2x128x8x128xf32, #tpu.memory_space<hbm>>, %arg4: memref<160x512xf32, #tpu.memory_space<vmem>>, %arg5: memref<2x4x8x128xf32, #tpu.memory_space<vmem>>) attributes {dimension_semantics = [#tpu.dimension_semantics<core_parallel>, #tpu.dimension_semantics<subcore_parallel>], iteration_bounds = array<i64: 2, 16>, scalar_prefetch = 0 : i64, scratch_operands = 2 : i64, tpu.core_type = #tpu.core_type<sc_vector_subcore>, window_params = [{transform_indices = #map}, {transform_indices = #map1}]} {
    %mul3A = arith.constant 2 : i32
    %mul3A_0 = arith.muli %arg1, %mul3A : i32
    %add3A = arith.addi %mul3A_0, %arg0 : i32
    %mul3A_1 = arith.constant 512 : i32
    %mul3A_2 = arith.muli %add3A, %mul3A_1 : i32
    "tpu.region"() ({
      %run_scoped3A = tpu.sem_alloc : memref<!tpu.dma_semaphore, #tpu.memory_space<semaphore_mem>>
      %dma_start3A = arith.constant 0 : i32
      %dma_start3A_24 = tpu.memref_slice %arg2[%dma_start3A, %mul3A_2] : memref<160x16384xf32, #tpu.memory_space<hbm>> -> memref<160x512xf32, #tpu.memory_space<hbm>>
      %dma_start3A_25 = arith.constant 0 : i32
      %dma_start3A_26 = tpu.memref_slice %arg2[%dma_start3A_25, %mul3A_2] : memref<160x16384xf32, #tpu.memory_space<hbm>> -> memref<160x512xf32, #tpu.memory_space<hbm>>
      tpu.enqueue_dma source(%dma_start3A_26 : memref<160x512xf32, #tpu.memory_space<hbm>>) target(%arg4 : memref<160x512xf32, #tpu.memory_space<vmem>>) target_semaphore(%run_scoped3A : memref<!tpu.dma_semaphore, #tpu.memory_space<semaphore_mem>>)
      %dma_wait3A = arith.constant 0 : i32
      %dma_wait3A_27 = tpu.memref_slice %arg2[%dma_wait3A, %mul3A_2] : memref<160x16384xf32, #tpu.memory_space<hbm>> -> memref<160x512xf32, #tpu.memory_space<hbm>>
      %dma_wait3A_28 = arith.constant 0 : i32
      %dma_wait3A_29 = tpu.memref_slice %arg2[%dma_wait3A_28, %mul3A_2] : memref<160x16384xf32, #tpu.memory_space<hbm>> -> memref<160x512xf32, #tpu.memory_space<hbm>>
      tpu.wait_dma2 semaphore(%run_scoped3A : memref<!tpu.dma_semaphore, #tpu.memory_space<semaphore_mem>>) src(%dma_wait3A_29 : memref<160x512xf32, #tpu.memory_space<hbm>>) dst(%arg4 : memref<160x512xf32, #tpu.memory_space<vmem>>)
      tpu.yield
    }) : () -> ()
    %scan3A = arith.constant 0 : i32
    %scan3A_3 = arith.constant 0 : i32
    %scan3A_4 = arith.constant 32 : i32
    %scan3A_5 = arith.addi %scan3A_3, %scan3A_4 : i32
    %scan3A_6 = arith.constant 1 : i32
    scf.for %scan3A_24 = %scan3A_3 to %scan3A_5 step %scan3A_6  : i32 {
      %mul3A_25 = arith.constant 16 : i32
      %mul3A_26 = arith.muli %scan3A_24, %mul3A_25 : i32
      %broadcast_in_dim3A = arith.constant -1.000000e+00 : f32
      %broadcast_in_dim3A_27 = vector.broadcast %broadcast_in_dim3A : f32 to vector<16xf32>
      %broadcast_in_dim3A_28 = arith.constant 0 : i32
      %broadcast_in_dim3A_29 = vector.broadcast %broadcast_in_dim3A_28 : i32 to vector<16xi32>
      %get3A = arith.constant 0 : i32
      %get3A_30 = arith.index_cast %get3A : i32 to index
      %get3A_31 = arith.index_cast %mul3A_26 : i32 to index
      %get3A_32 = tpu.vector_load %arg4[%get3A_30, %get3A_31] {strides = array<i32>} : memref<160x512xf32, #tpu.memory_space<vmem>>, vector<16xf32>,
      %mul3A_33 = arith.mulf %get3A_32, %get3A_32 : vector<16xf32>
      %get3A_34 = arith.constant 1 : i32
      %get3A_35 = arith.index_cast %get3A_34 : i32 to index
      %get3A_36 = arith.index_cast %mul3A_26 : i32 to index
      %get3A_37 = tpu.vector_load %arg4[%get3A_35, %get3A_36] {strides = array<i32>} : memref<160x512xf32, #tpu.memory_space<vmem>>, vector<16xf32>,
      %mul3A_38 = arith.mulf %get3A_37, %get3A_37 : vector<16xf32>
      %add3A_39 = arith.addf %mul3A_33, %mul3A_38 : vector<16xf32>
      %get3A_40 = arith.constant 2 : i32
      %get3A_41 = arith.index_cast %get3A_40 : i32 to index
      %get3A_42 = arith.index_cast %mul3A_26 : i32 to index
      %get3A_43 = tpu.vector_load %arg4[%get3A_41, %get3A_42] {strides = array<i32>} : memref<160x512xf32, #tpu.memory_space<vmem>>, vector<16xf32>,
      %mul3A_44 = arith.mulf %get3A_43, %get3A_43 : vector<16xf32>
      %add3A_45 = arith.addf %add3A_39, %mul3A_44 : vector<16xf32>
      %get3A_46 = arith.constant 3 : i32
      %get3A_47 = arith.index_cast %get3A_46 : i32 to index
      %get3A_48 = arith.index_cast %mul3A_26 : i32 to index
      %get3A_49 = tpu.vector_load %arg4[%get3A_47, %get3A_48] {strides = array<i32>} : memref<160x512xf32, #tpu.memory_space<vmem>>, vector<16xf32>,
      %mul3A_50 = arith.mulf %get3A_49, %get3A_49 : vector<16xf32>
      %add3A_51 = arith.addf %add3A_45, %mul3A_50 : vector<16xf32>
      %get3A_52 = arith.constant 4 : i32
      %get3A_53 = arith.index_cast %get3A_52 : i32 to index
      %get3A_54 = arith.index_cast %mul3A_26 : i32 to index
      %get3A_55 = tpu.vector_load %arg4[%get3A_53, %get3A_54] {strides = array<i32>} : memref<160x512xf32, #tpu.memory_space<vmem>>, vector<16xf32>,
      %mul3A_56 = arith.mulf %get3A_55, %get3A_55 : vector<16xf32>
      %add3A_57 = arith.addf %add3A_51, %mul3A_56 : vector<16xf32>
      %get3A_58 = arith.constant 5 : i32
      %get3A_59 = arith.index_cast %get3A_58 : i32 to index
      %get3A_60 = arith.index_cast %mul3A_26 : i32 to index
      %get3A_61 = tpu.vector_load %arg4[%get3A_59, %get3A_60] {strides = array<i32>} : memref<160x512xf32, #tpu.memory_space<vmem>>, vector<16xf32>,
      %mul3A_62 = arith.mulf %get3A_61, %get3A_61 : vector<16xf32>
      %add3A_63 = arith.addf %add3A_57, %mul3A_62 : vector<16xf32>
      %get3A_64 = arith.constant 6 : i32
      %get3A_65 = arith.index_cast %get3A_64 : i32 to index
      %get3A_66 = arith.index_cast %mul3A_26 : i32 to index
      %get3A_67 = tpu.vector_load %arg4[%get3A_65, %get3A_66] {strides = array<i32>} : memref<160x512xf32, #tpu.memory_space<vmem>>, vector<16xf32>,
      %mul3A_68 = arith.mulf %get3A_67, %get3A_67 : vector<16xf32>
      %add3A_69 = arith.addf %add3A_63, %mul3A_68 : vector<16xf32>
      %get3A_70 = arith.constant 7 : i32
      %get3A_71 = arith.index_cast %get3A_70 : i32 to index
      %get3A_72 = arith.index_cast %mul3A_26 : i32 to index
      %get3A_73 = tpu.vector_load %arg4[%get3A_71, %get3A_72] {strides = array<i32>} : memref<160x512xf32, #tpu.memory_space<vmem>>, vector<16xf32>,
      %mul3A_74 = arith.mulf %get3A_73, %get3A_73 : vector<16xf32>
      %add3A_75 = arith.addf %add3A_69, %mul3A_74 : vector<16xf32>
      %get3A_76 = arith.constant 8 : i32
      %get3A_77 = arith.index_cast %get3A_76 : i32 to index
      %get3A_78 = arith.index_cast %mul3A_26 : i32 to index
      %get3A_79 = tpu.vector_load %arg4[%get3A_77, %get3A_78] {strides = array<i32>} : memref<160x512xf32, #tpu.memory_space<vmem>>, vector<16xf32>,
      %mul3A_80 = arith.mulf %get3A_79, %get3A_79 : vector<16xf32>
      %add3A_81 = arith.addf %add3A_75, %mul3A_80 : vector<16xf32>
      %get3A_82 = arith.constant 9 : i32
      %get3A_83 = arith.index_cast %get3A_82 : i32 to index
      %get3A_84 = arith.index_cast %mul3A_26 : i32 to index
      %get3A_85 = tpu.vector_load %arg4[%get3A_83, %get3A_84] {strides = array<i32>} : memref<160x512xf32, #tpu.memory_space<vmem>>, vector<16xf32>,
      %mul3A_86 = arith.mulf %get3A_85, %get3A_85 : vector<16xf32>
      %add3A_87 = arith.addf %add3A_81, %mul3A_86 : vector<16xf32>
      %get3A_88 = arith.constant 10 : i32
      %get3A_89 = arith.index_cast %get3A_88 : i32 to index
      %get3A_90 = arith.index_cast %mul3A_26 : i32 to index
      %get3A_91 = tpu.vector_load %arg4[%get3A_89, %get3A_90] {strides = array<i32>} : memref<160x512xf32, #tpu.memory_space<vmem>>, vector<16xf32>,
      %mul3A_92 = arith.mulf %get3A_91, %get3A_91 : vector<16xf32>
      %add3A_93 = arith.addf %add3A_87, %mul3A_92 : vector<16xf32>
      %get3A_94 = arith.constant 11 : i32
      %get3A_95 = arith.index_cast %get3A_94 : i32 to index
      %get3A_96 = arith.index_cast %mul3A_26 : i32 to index
      %get3A_97 = tpu.vector_load %arg4[%get3A_95, %get3A_96] {strides = array<i32>} : memref<160x512xf32, #tpu.memory_space<vmem>>, vector<16xf32>,
      %mul3A_98 = arith.mulf %get3A_97, %get3A_97 : vector<16xf32>
      %add3A_99 = arith.addf %add3A_93, %mul3A_98 : vector<16xf32>
      %get3A_100 = arith.constant 12 : i32
      %get3A_101 = arith.index_cast %get3A_100 : i32 to index
      %get3A_102 = arith.index_cast %mul3A_26 : i32 to index
      %get3A_103 = tpu.vector_load %arg4[%get3A_101, %get3A_102] {strides = array<i32>} : memref<160x512xf32, #tpu.memory_space<vmem>>, vector<16xf32>,
      %mul3A_104 = arith.mulf %get3A_103, %get3A_103 : vector<16xf32>
      %add3A_105 = arith.addf %add3A_99, %mul3A_104 : vector<16xf32>
      %get3A_106 = arith.constant 13 : i32
      %get3A_107 = arith.index_cast %get3A_106 : i32 to index
      %get3A_108 = arith.index_cast %mul3A_26 : i32 to index
      %get3A_109 = tpu.vector_load %arg4[%get3A_107, %get3A_108] {strides = array<i32>} : memref<160x512xf32, #tpu.memory_space<vmem>>, vector<16xf32>,
      %mul3A_110 = arith.mulf %get3A_109, %get3A_109 : vector<16xf32>
      %add3A_111 = arith.addf %add3A_105, %mul3A_110 : vector<16xf32>
      %get3A_112 = arith.constant 14 : i32
      %get3A_113 = arith.index_cast %get3A_112 : i32 to index
      %get3A_114 = arith.index_cast %mul3A_26 : i32 to index
      %get3A_115 = tpu.vector_load %arg4[%get3A_113, %get3A_114] {strides = array<i32>} : memref<160x512xf32, #tpu.memory_space<vmem>>, vector<16xf32>,
      %mul3A_116 = arith.mulf %get3A_115, %get3A_115 : vector<16xf32>
      %add3A_117 = arith.addf %add3A_111, %mul3A_116 : vector<16xf32>
      %get3A_118 = arith.constant 15 : i32
      %get3A_119 = arith.index_cast %get3A_118 : i32 to index
      %get3A_120 = arith.index_cast %mul3A_26 : i32 to index
      %get3A_121 = tpu.vector_load %arg4[%get3A_119, %get3A_120] {strides = array<i32>} : memref<160x512xf32, #tpu.memory_space<vmem>>, vector<16xf32>,
      %mul3A_122 = arith.mulf %get3A_121, %get3A_121 : vector<16xf32>
      %add3A_123 = arith.addf %add3A_117, %mul3A_122 : vector<16xf32>
      %gt3A = arith.cmpf ogt, %add3A_123, %broadcast_in_dim3A_27 : vector<16xf32>
      %select_n3A_124 = arith.select %gt3A, %add3A_123, %broadcast_in_dim3A_27 : vector<16xi1>, vector<16xf32>
      %jit3A_125 = arith.constant 0 : i32
      %broadcast_in_dim3A_126 = vector.broadcast %jit3A_125 : i32 to vector<16xi32>
      %select_n3A_127 = arith.select %gt3A, %broadcast_in_dim3A_126, %broadcast_in_dim3A_29 : vector<16xi1>, vector<16xi32>
      %get3A_128 = arith.constant 16 : i32
      %get3A_129 = arith.index_cast %get3A_128 : i32 to index
      %get3A_130 = arith.index_cast %mul3A_26 : i32 to index
      %get3A_131 = tpu.vector_load %arg4[%get3A_129, %get3A_130] {strides = array<i32>} : memref<160x512xf32, #tpu.memory_space<vmem>>, vector<16xf32>,
      %mul3A_132 = arith.mulf %get3A_131, %get3A_131 : vector<16xf32>
      %get3A_133 = arith.constant 17 : i32
      %get3A_134 = arith.index_cast %get3A_133 : i32 to index
      %get3A_135 = arith.index_cast %mul3A_26 : i32 to index
      %get3A_136 = tpu.vector_load %arg4[%get3A_134, %get3A_135] {strides = array<i32>} : memref<160x512xf32, #tpu.memory_space<vmem>>, vector<16xf32>,
      %mul3A_137 = arith.mulf %get3A_136, %get3A_136 : vector<16xf32>
      %add3A_138 = arith.addf %mul3A_132, %mul3A_137 : vector<16xf32>
      %get3A_139 = arith.constant 18 : i32
      %get3A_140 = arith.index_cast %get3A_139 : i32 to index
      %get3A_141 = arith.index_cast %mul3A_26 : i32 to index
      %get3A_142 = tpu.vector_load %arg4[%get3A_140, %get3A_141] {strides = array<i32>} : memref<160x512xf32, #tpu.memory_space<vmem>>, vector<16xf32>,
      %mul3A_143 = arith.mulf %get3A_142, %get3A_142 : vector<16xf32>
      %add3A_144 = arith.addf %add3A_138, %mul3A_143 : vector<16xf32>
      %get3A_145 = arith.constant 19 : i32
      %get3A_146 = arith.index_cast %get3A_145 : i32 to index
      %get3A_147 = arith.index_cast %mul3A_26 : i32 to index
      %get3A_148 = tpu.vector_load %arg4[%get3A_146, %get3A_147] {strides = array<i32>} : memref<160x512xf32, #tpu.memory_space<vmem>>, vector<16xf32>,
      %mul3A_149 = arith.mulf %get3A_148, %get3A_148 : vector<16xf32>
      %add3A_150 = arith.addf %add3A_144, %mul3A_149 : vector<16xf32>
      %get3A_151 = arith.constant 20 : i32
      %get3A_152 = arith.index_cast %get3A_151 : i32 to index
      %get3A_153 = arith.index_cast %mul3A_26 : i32 to index
      %get3A_154 = tpu.vector_load %arg4[%get3A_152, %get3A_153] {strides = array<i32>} : memref<160x512xf32, #tpu.memory_space<vmem>>, vector<16xf32>,
      %mul3A_155 = arith.mulf %get3A_154, %get3A_154 : vector<16xf32>
      %add3A_156 = arith.addf %add3A_150, %mul3A_155 : vector<16xf32>
      %get3A_157 = arith.constant 21 : i32
      %get3A_158 = arith.index_cast %get3A_157 : i32 to index
      %get3A_159 = arith.index_cast %mul3A_26 : i32 to index
      %get3A_160 = tpu.vector_load %arg4[%get3A_158, %get3A_159] {strides = array<i32>} : memref<160x512xf32, #tpu.memory_space<vmem>>, vector<16xf32>,
      %mul3A_161 = arith.mulf %get3A_160, %get3A_160 : vector<16xf32>
      %add3A_162 = arith.addf %add3A_156, %mul3A_161 : vector<16xf32>
      %get3A_163 = arith.constant 22 : i32
      %get3A_164 = arith.index_cast %get3A_163 : i32 to index
      %get3A_165 = arith.index_cast %mul3A_26 : i32 to index
      %get3A_166 = tpu.vector_load %arg4[%get3A_164, %get3A_165] {strides = array<i32>} : memref<160x512xf32, #tpu.memory_space<vmem>>, vector<16xf32>,
      %mul3A_167 = arith.mulf %get3A_166, %get3A_166 : vector<16xf32>
      %add3A_168 = arith.addf %add3A_162, %mul3A_167 : vector<16xf32>
      %get3A_169 = arith.constant 23 : i32
      %get3A_170 = arith.index_cast %get3A_169 : i32 to index
      %get3A_171 = arith.index_cast %mul3A_26 : i32 to index
      %get3A_172 = tpu.vector_load %arg4[%get3A_170, %get3A_171] {strides = array<i32>} : memref<160x512xf32, #tpu.memory_space<vmem>>, vector<16xf32>,
      %mul3A_173 = arith.mulf %get3A_172, %get3A_172 : vector<16xf32>
      %add3A_174 = arith.addf %add3A_168, %mul3A_173 : vector<16xf32>
      %get3A_175 = arith.constant 24 : i32
      %get3A_176 = arith.index_cast %get3A_175 : i32 to index
      %get3A_177 = arith.index_cast %mul3A_26 : i32 to index
      %get3A_178 = tpu.vector_load %arg4[%get3A_176, %get3A_177] {strides = array<i32>} : memref<160x512xf32, #tpu.memory_space<vmem>>, vector<16xf32>,
      %mul3A_179 = arith.mulf %get3A_178, %get3A_178 : vector<16xf32>
      %add3A_180 = arith.addf %add3A_174, %mul3A_179 : vector<16xf32>
      %get3A_181 = arith.constant 25 : i32
      %get3A_182 = arith.index_cast %get3A_181 : i32 to index
      %get3A_183 = arith.index_cast %mul3A_26 : i32 to index
      %get3A_184 = tpu.vector_load %arg4[%get3A_182, %get3A_183] {strides = array<i32>} : memref<160x512xf32, #tpu.memory_space<vmem>>, vector<16xf32>,
      %mul3A_185 = arith.mulf %get3A_184, %get3A_184 : vector<16xf32>
      %add3A_186 = arith.addf %add3A_180, %mul3A_185 : vector<16xf32>
      %get3A_187 = arith.constant 26 : i32
      %get3A_188 = arith.index_cast %get3A_187 : i32 to index
      %get3A_189 = arith.index_cast %mul3A_26 : i32 to index
      %get3A_190 = tpu.vector_load %arg4[%get3A_188, %get3A_189] {strides = array<i32>} : memref<160x512xf32, #tpu.memory_space<vmem>>, vector<16xf32>,
      %mul3A_191 = arith.mulf %get3A_190, %get3A_190 : vector<16xf32>
      %add3A_192 = arith.addf %add3A_186, %mul3A_191 : vector<16xf32>
      %get3A_193 = arith.constant 27 : i32
      %get3A_194 = arith.index_cast %get3A_193 : i32 to index
      %get3A_195 = arith.index_cast %mul3A_26 : i32 to index
      %get3A_196 = tpu.vector_load %arg4[%get3A_194, %get3A_195] {strides = array<i32>} : memref<160x512xf32, #tpu.memory_space<vmem>>, vector<16xf32>,
      %mul3A_197 = arith.mulf %get3A_196, %get3A_196 : vector<16xf32>
      %add3A_198 = arith.addf %add3A_192, %mul3A_197 : vector<16xf32>
      %get3A_199 = arith.constant 28 : i32
      %get3A_200 = arith.index_cast %get3A_199 : i32 to index
      %get3A_201 = arith.index_cast %mul3A_26 : i32 to index
      %get3A_202 = tpu.vector_load %arg4[%get3A_200, %get3A_201] {strides = array<i32>} : memref<160x512xf32, #tpu.memory_space<vmem>>, vector<16xf32>,
      %mul3A_203 = arith.mulf %get3A_202, %get3A_202 : vector<16xf32>
      %add3A_204 = arith.addf %add3A_198, %mul3A_203 : vector<16xf32>
      %get3A_205 = arith.constant 29 : i32
      %get3A_206 = arith.index_cast %get3A_205 : i32 to index
      %get3A_207 = arith.index_cast %mul3A_26 : i32 to index
      %get3A_208 = tpu.vector_load %arg4[%get3A_206, %get3A_207] {strides = array<i32>} : memref<160x512xf32, #tpu.memory_space<vmem>>, vector<16xf32>,
      %mul3A_209 = arith.mulf %get3A_208, %get3A_208 : vector<16xf32>
      %add3A_210 = arith.addf %add3A_204, %mul3A_209 : vector<16xf32>
      %get3A_211 = arith.constant 30 : i32
      %get3A_212 = arith.index_cast %get3A_211 : i32 to index
      %get3A_213 = arith.index_cast %mul3A_26 : i32 to index
      %get3A_214 = tpu.vector_load %arg4[%get3A_212, %get3A_213] {strides = array<i32>} : memref<160x512xf32, #tpu.memory_space<vmem>>, vector<16xf32>,
      %mul3A_215 = arith.mulf %get3A_214, %get3A_214 : vector<16xf32>
      %add3A_216 = arith.addf %add3A_210, %mul3A_215 : vector<16xf32>
      %get3A_217 = arith.constant 31 : i32
      %get3A_218 = arith.index_cast %get3A_217 : i32 to index
      %get3A_219 = arith.index_cast %mul3A_26 : i32 to index
      %get3A_220 = tpu.vector_load %arg4[%get3A_218, %get3A_219] {strides = array<i32>} : memref<160x512xf32, #tpu.memory_space<vmem>>, vector<16xf32>,
      %mul3A_221 = arith.mulf %get3A_220, %get3A_220 : vector<16xf32>
      %add3A_222 = arith.addf %add3A_216, %mul3A_221 : vector<16xf32>
      %gt3A_223 = arith.cmpf ogt, %add3A_222, %select_n3A_124 : vector<16xf32>
      %select_n3A_224 = arith.select %gt3A_223, %add3A_222, %select_n3A_124 : vector<16xi1>, vector<16xf32>
      %jit3A_225 = arith.constant 1 : i32
      %broadcast_in_dim3A_226 = vector.broadcast %jit3A_225 : i32 to vector<16xi32>
      %select_n3A_227 = arith.select %gt3A_223, %broadcast_in_dim3A_226, %select_n3A_127 : vector<16xi1>, vector<16xi32>
      %get3A_228 = arith.constant 32 : i32
      %get3A_229 = arith.index_cast %get3A_228 : i32 to index
      %get3A_230 = arith.index_cast %mul3A_26 : i32 to index
      %get3A_231 = tpu.vector_load %arg4[%get3A_229, %get3A_230] {strides = array<i32>} : memref<160x512xf32, #tpu.memory_space<vmem>>, vector<16xf32>,
      %mul3A_232 = arith.mulf %get3A_231, %get3A_231 : vector<16xf32>
      %get3A_233 = arith.constant 33 : i32
      %get3A_234 = arith.index_cast %get3A_233 : i32 to index
      %get3A_235 = arith.index_cast %mul3A_26 : i32 to index
      %get3A_236 = tpu.vector_load %arg4[%get3A_234, %get3A_235] {strides = array<i32>} : memref<160x512xf32, #tpu.memory_space<vmem>>, vector<16xf32>,
      %mul3A_237 = arith.mulf %get3A_236, %get3A_236 : vector<16xf32>
      %add3A_238 = arith.addf %mul3A_232, %mul3A_237 : vector<16xf32>
      %get3A_239 = arith.constant 34 : i32
      %get3A_240 = arith.index_cast %get3A_239 : i32 to index
      %get3A_241 = arith.index_cast %mul3A_26 : i32 to index
      %get3A_242 = tpu.vector_load %arg4[%get3A_240, %get3A_241] {strides = array<i32>} : memref<160x512xf32, #tpu.memory_space<vmem>>, vector<16xf32>,
      %mul3A_243 = arith.mulf %get3A_242, %get3A_242 : vector<16xf32>
      %add3A_244 = arith.addf %add3A_238, %mul3A_243 : vector<16xf32>
      %get3A_245 = arith.constant 35 : i32
      %get3A_246 = arith.index_cast %get3A_245 : i32 to index
      %get3A_247 = arith.index_cast %mul3A_26 : i32 to index
      %get3A_248 = tpu.vector_load %arg4[%get3A_246, %get3A_247] {strides = array<i32>} : memref<160x512xf32, #tpu.memory_space<vmem>>, vector<16xf32>,
      %mul3A_249 = arith.mulf %get3A_248, %get3A_248 : vector<16xf32>
      %add3A_250 = arith.addf %add3A_244, %mul3A_249 : vector<16xf32>
      %get3A_251 = arith.constant 36 : i32
      %get3A_252 = arith.index_cast %get3A_251 : i32 to index
      %get3A_253 = arith.index_cast %mul3A_26 : i32 to index
      %get3A_254 = tpu.vector_load %arg4[%get3A_252, %get3A_253] {strides = array<i32>} : memref<160x512xf32, #tpu.memory_space<vmem>>, vector<16xf32>,
      %mul3A_255 = arith.mulf %get3A_254, %get3A_254 : vector<16xf32>
      %add3A_256 = arith.addf %add3A_250, %mul3A_255 : vector<16xf32>
      %get3A_257 = arith.constant 37 : i32
      %get3A_258 = arith.index_cast %get3A_257 : i32 to index
      %get3A_259 = arith.index_cast %mul3A_26 : i32 to index
      %get3A_260 = tpu.vector_load %arg4[%get3A_258, %get3A_259] {strides = array<i32>} : memref<160x512xf32, #tpu.memory_space<vmem>>, vector<16xf32>,
      %mul3A_261 = arith.mulf %get3A_260, %get3A_260 : vector<16xf32>
      %add3A_262 = arith.addf %add3A_256, %mul3A_261 : vector<16xf32>
      %get3A_263 = arith.constant 38 : i32
      %get3A_264 = arith.index_cast %get3A_263 : i32 to index
      %get3A_265 = arith.index_cast %mul3A_26 : i32 to index
      %get3A_266 = tpu.vector_load %arg4[%get3A_264, %get3A_265] {strides = array<i32>} : memref<160x512xf32, #tpu.memory_space<vmem>>, vector<16xf32>,
      %mul3A_267 = arith.mulf %get3A_266, %get3A_266 : vector<16xf32>
      %add3A_268 = arith.addf %add3A_262, %mul3A_267 : vector<16xf32>
      %get3A_269 = arith.constant 39 : i32
      %get3A_270 = arith.index_cast %get3A_269 : i32 to index
      %get3A_271 = arith.index_cast %mul3A_26 : i32 to index
      %get3A_272 = tpu.vector_load %arg4[%get3A_270, %get3A_271] {strides = array<i32>} : memref<160x512xf32, #tpu.memory_space<vmem>>, vector<16xf32>,
      %mul3A_273 = arith.mulf %get3A_272, %get3A_272 : vector<16xf32>
      %add3A_274 = arith.addf %add3A_268, %mul3A_273 : vector<16xf32>
      %get3A_275 = arith.constant 40 : i32
      %get3A_276 = arith.index_cast %get3A_275 : i32 to index
      %get3A_277 = arith.index_cast %mul3A_26 : i32 to index
      %get3A_278 = tpu.vector_load %arg4[%get3A_276, %get3A_277] {strides = array<i32>} : memref<160x512xf32, #tpu.memory_space<vmem>>, vector<16xf32>,
      %mul3A_279 = arith.mulf %get3A_278, %get3A_278 : vector<16xf32>
      %add3A_280 = arith.addf %add3A_274, %mul3A_279 : vector<16xf32>
      %get3A_281 = arith.constant 41 : i32
      %get3A_282 = arith.index_cast %get3A_281 : i32 to index
      %get3A_283 = arith.index_cast %mul3A_26 : i32 to index
      %get3A_284 = tpu.vector_load %arg4[%get3A_282, %get3A_283] {strides = array<i32>} : memref<160x512xf32, #tpu.memory_space<vmem>>, vector<16xf32>,
      %mul3A_285 = arith.mulf %get3A_284, %get3A_284 : vector<16xf32>
      %add3A_286 = arith.addf %add3A_280, %mul3A_285 : vector<16xf32>
      %get3A_287 = arith.constant 42 : i32
      %get3A_288 = arith.index_cast %get3A_287 : i32 to index
      %get3A_289 = arith.index_cast %mul3A_26 : i32 to index
      %get3A_290 = tpu.vector_load %arg4[%get3A_288, %get3A_289] {strides = array<i32>} : memref<160x512xf32, #tpu.memory_space<vmem>>, vector<16xf32>,
      %mul3A_291 = arith.mulf %get3A_290, %get3A_290 : vector<16xf32>
      %add3A_292 = arith.addf %add3A_286, %mul3A_291 : vector<16xf32>
      %get3A_293 = arith.constant 43 : i32
      %get3A_294 = arith.index_cast %get3A_293 : i32 to index
      %get3A_295 = arith.index_cast %mul3A_26 : i32 to index
      %get3A_296 = tpu.vector_load %arg4[%get3A_294, %get3A_295] {strides = array<i32>} : memref<160x512xf32, #tpu.memory_space<vmem>>, vector<16xf32>,
      %mul3A_297 = arith.mulf %get3A_296, %get3A_296 : vector<16xf32>
      %add3A_298 = arith.addf %add3A_292, %mul3A_297 : vector<16xf32>
      %get3A_299 = arith.constant 44 : i32
      %get3A_300 = arith.index_cast %get3A_299 : i32 to index
      %get3A_301 = arith.index_cast %mul3A_26 : i32 to index
      %get3A_302 = tpu.vector_load %arg4[%get3A_300, %get3A_301] {strides = array<i32>} : memref<160x512xf32, #tpu.memory_space<vmem>>, vector<16xf32>,
      %mul3A_303 = arith.mulf %get3A_302, %get3A_302 : vector<16xf32>
      %add3A_304 = arith.addf %add3A_298, %mul3A_303 : vector<16xf32>
      %get3A_305 = arith.constant 45 : i32
      %get3A_306 = arith.index_cast %get3A_305 : i32 to index
      %get3A_307 = arith.index_cast %mul3A_26 : i32 to index
      %get3A_308 = tpu.vector_load %arg4[%get3A_306, %get3A_307] {strides = array<i32>} : memref<160x512xf32, #tpu.memory_space<vmem>>, vector<16xf32>,
      %mul3A_309 = arith.mulf %get3A_308, %get3A_308 : vector<16xf32>
      %add3A_310 = arith.addf %add3A_304, %mul3A_309 : vector<16xf32>
      %get3A_311 = arith.constant 46 : i32
      %get3A_312 = arith.index_cast %get3A_311 : i32 to index
      %get3A_313 = arith.index_cast %mul3A_26 : i32 to index
      %get3A_314 = tpu.vector_load %arg4[%get3A_312, %get3A_313] {strides = array<i32>} : memref<160x512xf32, #tpu.memory_space<vmem>>, vector<16xf32>,
      %mul3A_315 = arith.mulf %get3A_314, %get3A_314 : vector<16xf32>
      %add3A_316 = arith.addf %add3A_310, %mul3A_315 : vector<16xf32>
      %get3A_317 = arith.constant 47 : i32
      %get3A_318 = arith.index_cast %get3A_317 : i32 to index
      %get3A_319 = arith.index_cast %mul3A_26 : i32 to index
      %get3A_320 = tpu.vector_load %arg4[%get3A_318, %get3A_319] {strides = array<i32>} : memref<160x512xf32, #tpu.memory_space<vmem>>, vector<16xf32>,
      %mul3A_321 = arith.mulf %get3A_320, %get3A_320 : vector<16xf32>
      %add3A_322 = arith.addf %add3A_316, %mul3A_321 : vector<16xf32>
      %gt3A_323 = arith.cmpf ogt, %add3A_322, %select_n3A_224 : vector<16xf32>
      %select_n3A_324 = arith.select %gt3A_323, %add3A_322, %select_n3A_224 : vector<16xi1>, vector<16xf32>
      %jit3A_325 = arith.constant 2 : i32
      %broadcast_in_dim3A_326 = vector.broadcast %jit3A_325 : i32 to vector<16xi32>
      %select_n3A_327 = arith.select %gt3A_323, %broadcast_in_dim3A_326, %select_n3A_227 : vector<16xi1>, vector<16xi32>
      %get3A_328 = arith.constant 48 : i32
      %get3A_329 = arith.index_cast %get3A_328 : i32 to index
      %get3A_330 = arith.index_cast %mul3A_26 : i32 to index
      %get3A_331 = tpu.vector_load %arg4[%get3A_329, %get3A_330] {strides = array<i32>} : memref<160x512xf32, #tpu.memory_space<vmem>>, vector<16xf32>,
      %mul3A_332 = arith.mulf %get3A_331, %get3A_331 : vector<16xf32>
      %get3A_333 = arith.constant 49 : i32
      %get3A_334 = arith.index_cast %get3A_333 : i32 to index
      %get3A_335 = arith.index_cast %mul3A_26 : i32 to index
      %get3A_336 = tpu.vector_load %arg4[%get3A_334, %get3A_335] {strides = array<i32>} : memref<160x512xf32, #tpu.memory_space<vmem>>, vector<16xf32>,
      %mul3A_337 = arith.mulf %get3A_336, %get3A_336 : vector<16xf32>
      %add3A_338 = arith.addf %mul3A_332, %mul3A_337 : vector<16xf32>
      %get3A_339 = arith.constant 50 : i32
      %get3A_340 = arith.index_cast %get3A_339 : i32 to index
      %get3A_341 = arith.index_cast %mul3A_26 : i32 to index
      %get3A_342 = tpu.vector_load %arg4[%get3A_340, %get3A_341] {strides = array<i32>} : memref<160x512xf32, #tpu.memory_space<vmem>>, vector<16xf32>,
      %mul3A_343 = arith.mulf %get3A_342, %get3A_342 : vector<16xf32>
      %add3A_344 = arith.addf %add3A_338, %mul3A_343 : vector<16xf32>
      %get3A_345 = arith.constant 51 : i32
      %get3A_346 = arith.index_cast %get3A_345 : i32 to index
      %get3A_347 = arith.index_cast %mul3A_26 : i32 to index
      %get3A_348 = tpu.vector_load %arg4[%get3A_346, %get3A_347] {strides = array<i32>} : memref<160x512xf32, #tpu.memory_space<vmem>>, vector<16xf32>,
      %mul3A_349 = arith.mulf %get3A_348, %get3A_348 : vector<16xf32>
      %add3A_350 = arith.addf %add3A_344, %mul3A_349 : vector<16xf32>
      %get3A_351 = arith.constant 52 : i32
      %get3A_352 = arith.index_cast %get3A_351 : i32 to index
      %get3A_353 = arith.index_cast %mul3A_26 : i32 to index
      %get3A_354 = tpu.vector_load %arg4[%get3A_352, %get3A_353] {strides = array<i32>} : memref<160x512xf32, #tpu.memory_space<vmem>>, vector<16xf32>,
      %mul3A_355 = arith.mulf %get3A_354, %get3A_354 : vector<16xf32>
      %add3A_356 = arith.addf %add3A_350, %mul3A_355 : vector<16xf32>
      %get3A_357 = arith.constant 53 : i32
      %get3A_358 = arith.index_cast %get3A_357 : i32 to index
      %get3A_359 = arith.index_cast %mul3A_26 : i32 to index
      %get3A_360 = tpu.vector_load %arg4[%get3A_358, %get3A_359] {strides = array<i32>} : memref<160x512xf32, #tpu.memory_space<vmem>>, vector<16xf32>,
      %mul3A_361 = arith.mulf %get3A_360, %get3A_360 : vector<16xf32>
      %add3A_362 = arith.addf %add3A_356, %mul3A_361 : vector<16xf32>
      %get3A_363 = arith.constant 54 : i32
      %get3A_364 = arith.index_cast %get3A_363 : i32 to index
      %get3A_365 = arith.index_cast %mul3A_26 : i32 to index
      %get3A_366 = tpu.vector_load %arg4[%get3A_364, %get3A_365] {strides = array<i32>} : memref<160x512xf32, #tpu.memory_space<vmem>>, vector<16xf32>,
      %mul3A_367 = arith.mulf %get3A_366, %get3A_366 : vector<16xf32>
      %add3A_368 = arith.addf %add3A_362, %mul3A_367 : vector<16xf32>
      %get3A_369 = arith.constant 55 : i32
      %get3A_370 = arith.index_cast %get3A_369 : i32 to index
      %get3A_371 = arith.index_cast %mul3A_26 : i32 to index
      %get3A_372 = tpu.vector_load %arg4[%get3A_370, %get3A_371] {strides = array<i32>} : memref<160x512xf32, #tpu.memory_space<vmem>>, vector<16xf32>,
      %mul3A_373 = arith.mulf %get3A_372, %get3A_372 : vector<16xf32>
      %add3A_374 = arith.addf %add3A_368, %mul3A_373 : vector<16xf32>
      %get3A_375 = arith.constant 56 : i32
      %get3A_376 = arith.index_cast %get3A_375 : i32 to index
      %get3A_377 = arith.index_cast %mul3A_26 : i32 to index
      %get3A_378 = tpu.vector_load %arg4[%get3A_376, %get3A_377] {strides = array<i32>} : memref<160x512xf32, #tpu.memory_space<vmem>>, vector<16xf32>,
      %mul3A_379 = arith.mulf %get3A_378, %get3A_378 : vector<16xf32>
      %add3A_380 = arith.addf %add3A_374, %mul3A_379 : vector<16xf32>
      %get3A_381 = arith.constant 57 : i32
      %get3A_382 = arith.index_cast %get3A_381 : i32 to index
      %get3A_383 = arith.index_cast %mul3A_26 : i32 to index
      %get3A_384 = tpu.vector_load %arg4[%get3A_382, %get3A_383] {strides = array<i32>} : memref<160x512xf32, #tpu.memory_space<vmem>>, vector<16xf32>,
      %mul3A_385 = arith.mulf %get3A_384, %get3A_384 : vector<16xf32>
      %add3A_386 = arith.addf %add3A_380, %mul3A_385 : vector<16xf32>
      %get3A_387 = arith.constant 58 : i32
      %get3A_388 = arith.index_cast %get3A_387 : i32 to index
      %get3A_389 = arith.index_cast %mul3A_26 : i32 to index
      %get3A_390 = tpu.vector_load %arg4[%get3A_388, %get3A_389] {strides = array<i32>} : memref<160x512xf32, #tpu.memory_space<vmem>>, vector<16xf32>,
      %mul3A_391 = arith.mulf %get3A_390, %get3A_390 : vector<16xf32>
      %add3A_392 = arith.addf %add3A_386, %mul3A_391 : vector<16xf32>
      %get3A_393 = arith.constant 59 : i32
      %get3A_394 = arith.index_cast %get3A_393 : i32 to index
      %get3A_395 = arith.index_cast %mul3A_26 : i32 to index
      %get3A_396 = tpu.vector_load %arg4[%get3A_394, %get3A_395] {strides = array<i32>} : memref<160x512xf32, #tpu.memory_space<vmem>>, vector<16xf32>,
      %mul3A_397 = arith.mulf %get3A_396, %get3A_396 : vector<16xf32>
      %add3A_398 = arith.addf %add3A_392, %mul3A_397 : vector<16xf32>
      %get3A_399 = arith.constant 60 : i32
      %get3A_400 = arith.index_cast %get3A_399 : i32 to index
      %get3A_401 = arith.index_cast %mul3A_26 : i32 to index
      %get3A_402 = tpu.vector_load %arg4[%get3A_400, %get3A_401] {strides = array<i32>} : memref<160x512xf32, #tpu.memory_space<vmem>>, vector<16xf32>,
      %mul3A_403 = arith.mulf %get3A_402, %get3A_402 : vector<16xf32>
      %add3A_404 = arith.addf %add3A_398, %mul3A_403 : vector<16xf32>
      %get3A_405 = arith.constant 61 : i32
      %get3A_406 = arith.index_cast %get3A_405 : i32 to index
      %get3A_407 = arith.index_cast %mul3A_26 : i32 to index
      %get3A_408 = tpu.vector_load %arg4[%get3A_406, %get3A_407] {strides = array<i32>} : memref<160x512xf32, #tpu.memory_space<vmem>>, vector<16xf32>,
      %mul3A_409 = arith.mulf %get3A_408, %get3A_408 : vector<16xf32>
      %add3A_410 = arith.addf %add3A_404, %mul3A_409 : vector<16xf32>
      %get3A_411 = arith.constant 62 : i32
      %get3A_412 = arith.index_cast %get3A_411 : i32 to index
      %get3A_413 = arith.index_cast %mul3A_26 : i32 to index
      %get3A_414 = tpu.vector_load %arg4[%get3A_412, %get3A_413] {strides = array<i32>} : memref<160x512xf32, #tpu.memory_space<vmem>>, vector<16xf32>,
      %mul3A_415 = arith.mulf %get3A_414, %get3A_414 : vector<16xf32>
      %add3A_416 = arith.addf %add3A_410, %mul3A_415 : vector<16xf32>
      %get3A_417 = arith.constant 63 : i32
      %get3A_418 = arith.index_cast %get3A_417 : i32 to index
      %get3A_419 = arith.index_cast %mul3A_26 : i32 to index
      %get3A_420 = tpu.vector_load %arg4[%get3A_418, %get3A_419] {strides = array<i32>} : memref<160x512xf32, #tpu.memory_space<vmem>>, vector<16xf32>,
      %mul3A_421 = arith.mulf %get3A_420, %get3A_420 : vector<16xf32>
      %add3A_422 = arith.addf %add3A_416, %mul3A_421 : vector<16xf32>
      %gt3A_423 = arith.cmpf ogt, %add3A_422, %select_n3A_324 : vector<16xf32>
      %select_n3A_424 = arith.select %gt3A_423, %add3A_422, %select_n3A_324 : vector<16xi1>, vector<16xf32>
      %jit3A_425 = arith.constant 3 : i32
      %broadcast_in_dim3A_426 = vector.broadcast %jit3A_425 : i32 to vector<16xi32>
      %select_n3A_427 = arith.select %gt3A_423, %broadcast_in_dim3A_426, %select_n3A_327 : vector<16xi1>, vector<16xi32>
      %get3A_428 = arith.constant 64 : i32
      %get3A_429 = arith.index_cast %get3A_428 : i32 to index
      %get3A_430 = arith.index_cast %mul3A_26 : i32 to index
      %get3A_431 = tpu.vector_load %arg4[%get3A_429, %get3A_430] {strides = array<i32>} : memref<160x512xf32, #tpu.memory_space<vmem>>, vector<16xf32>,
      %mul3A_432 = arith.mulf %get3A_431, %get3A_431 : vector<16xf32>
      %get3A_433 = arith.constant 65 : i32
      %get3A_434 = arith.index_cast %get3A_433 : i32 to index
      %get3A_435 = arith.index_cast %mul3A_26 : i32 to index
      %get3A_436 = tpu.vector_load %arg4[%get3A_434, %get3A_435] {strides = array<i32>} : memref<160x512xf32, #tpu.memory_space<vmem>>, vector<16xf32>,
      %mul3A_437 = arith.mulf %get3A_436, %get3A_436 : vector<16xf32>
      %add3A_438 = arith.addf %mul3A_432, %mul3A_437 : vector<16xf32>
      %get3A_439 = arith.constant 66 : i32
      %get3A_440 = arith.index_cast %get3A_439 : i32 to index
      %get3A_441 = arith.index_cast %mul3A_26 : i32 to index
      %get3A_442 = tpu.vector_load %arg4[%get3A_440, %get3A_441] {strides = array<i32>} : memref<160x512xf32, #tpu.memory_space<vmem>>, vector<16xf32>,
      %mul3A_443 = arith.mulf %get3A_442, %get3A_442 : vector<16xf32>
      %add3A_444 = arith.addf %add3A_438, %mul3A_443 : vector<16xf32>
      %get3A_445 = arith.constant 67 : i32
      %get3A_446 = arith.index_cast %get3A_445 : i32 to index
      %get3A_447 = arith.index_cast %mul3A_26 : i32 to index
      %get3A_448 = tpu.vector_load %arg4[%get3A_446, %get3A_447] {strides = array<i32>} : memref<160x512xf32, #tpu.memory_space<vmem>>, vector<16xf32>,
      %mul3A_449 = arith.mulf %get3A_448, %get3A_448 : vector<16xf32>
      %add3A_450 = arith.addf %add3A_444, %mul3A_449 : vector<16xf32>
      %get3A_451 = arith.constant 68 : i32
      %get3A_452 = arith.index_cast %get3A_451 : i32 to index
      %get3A_453 = arith.index_cast %mul3A_26 : i32 to index
      %get3A_454 = tpu.vector_load %arg4[%get3A_452, %get3A_453] {strides = array<i32>} : memref<160x512xf32, #tpu.memory_space<vmem>>, vector<16xf32>,
      %mul3A_455 = arith.mulf %get3A_454, %get3A_454 : vector<16xf32>
      %add3A_456 = arith.addf %add3A_450, %mul3A_455 : vector<16xf32>
      %get3A_457 = arith.constant 69 : i32
      %get3A_458 = arith.index_cast %get3A_457 : i32 to index
      %get3A_459 = arith.index_cast %mul3A_26 : i32 to index
      %get3A_460 = tpu.vector_load %arg4[%get3A_458, %get3A_459] {strides = array<i32>} : memref<160x512xf32, #tpu.memory_space<vmem>>, vector<16xf32>,
      %mul3A_461 = arith.mulf %get3A_460, %get3A_460 : vector<16xf32>
      %add3A_462 = arith.addf %add3A_456, %mul3A_461 : vector<16xf32>
      %get3A_463 = arith.constant 70 : i32
      %get3A_464 = arith.index_cast %get3A_463 : i32 to index
      %get3A_465 = arith.index_cast %mul3A_26 : i32 to index
      %get3A_466 = tpu.vector_load %arg4[%get3A_464, %get3A_465] {strides = array<i32>} : memref<160x512xf32, #tpu.memory_space<vmem>>, vector<16xf32>,
      %mul3A_467 = arith.mulf %get3A_466, %get3A_466 : vector<16xf32>
      %add3A_468 = arith.addf %add3A_462, %mul3A_467 : vector<16xf32>
      %get3A_469 = arith.constant 71 : i32
      %get3A_470 = arith.index_cast %get3A_469 : i32 to index
      %get3A_471 = arith.index_cast %mul3A_26 : i32 to index
      %get3A_472 = tpu.vector_load %arg4[%get3A_470, %get3A_471] {strides = array<i32>} : memref<160x512xf32, #tpu.memory_space<vmem>>, vector<16xf32>,
      %mul3A_473 = arith.mulf %get3A_472, %get3A_472 : vector<16xf32>
      %add3A_474 = arith.addf %add3A_468, %mul3A_473 : vector<16xf32>
      %get3A_475 = arith.constant 72 : i32
      %get3A_476 = arith.index_cast %get3A_475 : i32 to index
      %get3A_477 = arith.index_cast %mul3A_26 : i32 to index
      %get3A_478 = tpu.vector_load %arg4[%get3A_476, %get3A_477] {strides = array<i32>} : memref<160x512xf32, #tpu.memory_space<vmem>>, vector<16xf32>,
      %mul3A_479 = arith.mulf %get3A_478, %get3A_478 : vector<16xf32>
      %add3A_480 = arith.addf %add3A_474, %mul3A_479 : vector<16xf32>
      %get3A_481 = arith.constant 73 : i32
      %get3A_482 = arith.index_cast %get3A_481 : i32 to index
      %get3A_483 = arith.index_cast %mul3A_26 : i32 to index
      %get3A_484 = tpu.vector_load %arg4[%get3A_482, %get3A_483] {strides = array<i32>} : memref<160x512xf32, #tpu.memory_space<vmem>>, vector<16xf32>,
      %mul3A_485 = arith.mulf %get3A_484, %get3A_484 : vector<16xf32>
      %add3A_486 = arith.addf %add3A_480, %mul3A_485 : vector<16xf32>
      %get3A_487 = arith.constant 74 : i32
      %get3A_488 = arith.index_cast %get3A_487 : i32 to index
      %get3A_489 = arith.index_cast %mul3A_26 : i32 to index
      %get3A_490 = tpu.vector_load %arg4[%get3A_488, %get3A_489] {strides = array<i32>} : memref<160x512xf32, #tpu.memory_space<vmem>>, vector<16xf32>,
      %mul3A_491 = arith.mulf %get3A_490, %get3A_490 : vector<16xf32>
      %add3A_492 = arith.addf %add3A_486, %mul3A_491 : vector<16xf32>
      %get3A_493 = arith.constant 75 : i32
      %get3A_494 = arith.index_cast %get3A_493 : i32 to index
      %get3A_495 = arith.index_cast %mul3A_26 : i32 to index
      %get3A_496 = tpu.vector_load %arg4[%get3A_494, %get3A_495] {strides = array<i32>} : memref<160x512xf32, #tpu.memory_space<vmem>>, vector<16xf32>,
      %mul3A_497 = arith.mulf %get3A_496, %get3A_496 : vector<16xf32>
      %add3A_498 = arith.addf %add3A_492, %mul3A_497 : vector<16xf32>
      %get3A_499 = arith.constant 76 : i32
      %get3A_500 = arith.index_cast %get3A_499 : i32 to index
      %get3A_501 = arith.index_cast %mul3A_26 : i32 to index
      %get3A_502 = tpu.vector_load %arg4[%get3A_500, %get3A_501] {strides = array<i32>} : memref<160x512xf32, #tpu.memory_space<vmem>>, vector<16xf32>,
      %mul3A_503 = arith.mulf %get3A_502, %get3A_502 : vector<16xf32>
      %add3A_504 = arith.addf %add3A_498, %mul3A_503 : vector<16xf32>
      %get3A_505 = arith.constant 77 : i32
      %get3A_506 = arith.index_cast %get3A_505 : i32 to index
      %get3A_507 = arith.index_cast %mul3A_26 : i32 to index
      %get3A_508 = tpu.vector_load %arg4[%get3A_506, %get3A_507] {strides = array<i32>} : memref<160x512xf32, #tpu.memory_space<vmem>>, vector<16xf32>,
      %mul3A_509 = arith.mulf %get3A_508, %get3A_508 : vector<16xf32>
      %add3A_510 = arith.addf %add3A_504, %mul3A_509 : vector<16xf32>
      %get3A_511 = arith.constant 78 : i32
      %get3A_512 = arith.index_cast %get3A_511 : i32 to index
      %get3A_513 = arith.index_cast %mul3A_26 : i32 to index
      %get3A_514 = tpu.vector_load %arg4[%get3A_512, %get3A_513] {strides = array<i32>} : memref<160x512xf32, #tpu.memory_space<vmem>>, vector<16xf32>,
      %mul3A_515 = arith.mulf %get3A_514, %get3A_514 : vector<16xf32>
      %add3A_516 = arith.addf %add3A_510, %mul3A_515 : vector<16xf32>
      %get3A_517 = arith.constant 79 : i32
      %get3A_518 = arith.index_cast %get3A_517 : i32 to index
      %get3A_519 = arith.index_cast %mul3A_26 : i32 to index
      %get3A_520 = tpu.vector_load %arg4[%get3A_518, %get3A_519] {strides = array<i32>} : memref<160x512xf32, #tpu.memory_space<vmem>>, vector<16xf32>,
      %mul3A_521 = arith.mulf %get3A_520, %get3A_520 : vector<16xf32>
      %add3A_522 = arith.addf %add3A_516, %mul3A_521 : vector<16xf32>
      %gt3A_523 = arith.cmpf ogt, %add3A_522, %select_n3A_424 : vector<16xf32>
      %select_n3A_524 = arith.select %gt3A_523, %add3A_522, %select_n3A_424 : vector<16xi1>, vector<16xf32>
      %jit3A_525 = arith.constant 4 : i32
      %broadcast_in_dim3A_526 = vector.broadcast %jit3A_525 : i32 to vector<16xi32>
      %select_n3A_527 = arith.select %gt3A_523, %broadcast_in_dim3A_526, %select_n3A_427 : vector<16xi1>, vector<16xi32>
      %get3A_528 = arith.constant 80 : i32
      %get3A_529 = arith.index_cast %get3A_528 : i32 to index
      %get3A_530 = arith.index_cast %mul3A_26 : i32 to index
      %get3A_531 = tpu.vector_load %arg4[%get3A_529, %get3A_530] {strides = array<i32>} : memref<160x512xf32, #tpu.memory_space<vmem>>, vector<16xf32>,
      %mul3A_532 = arith.mulf %get3A_531, %get3A_531 : vector<16xf32>
      %get3A_533 = arith.constant 81 : i32
      %get3A_534 = arith.index_cast %get3A_533 : i32 to index
      %get3A_535 = arith.index_cast %mul3A_26 : i32 to index
      %get3A_536 = tpu.vector_load %arg4[%get3A_534, %get3A_535] {strides = array<i32>} : memref<160x512xf32, #tpu.memory_space<vmem>>, vector<16xf32>,
      %mul3A_537 = arith.mulf %get3A_536, %get3A_536 : vector<16xf32>
      %add3A_538 = arith.addf %mul3A_532, %mul3A_537 : vector<16xf32>
      %get3A_539 = arith.constant 82 : i32
      %get3A_540 = arith.index_cast %get3A_539 : i32 to index
      %get3A_541 = arith.index_cast %mul3A_26 : i32 to index
      %get3A_542 = tpu.vector_load %arg4[%get3A_540, %get3A_541] {strides = array<i32>} : memref<160x512xf32, #tpu.memory_space<vmem>>, vector<16xf32>,
      %mul3A_543 = arith.mulf %get3A_542, %get3A_542 : vector<16xf32>
      %add3A_544 = arith.addf %add3A_538, %mul3A_543 : vector<16xf32>
      %get3A_545 = arith.constant 83 : i32
      %get3A_546 = arith.index_cast %get3A_545 : i32 to index
      %get3A_547 = arith.index_cast %mul3A_26 : i32 to index
      %get3A_548 = tpu.vector_load %arg4[%get3A_546, %get3A_547] {strides = array<i32>} : memref<160x512xf32, #tpu.memory_space<vmem>>, vector<16xf32>,
      %mul3A_549 = arith.mulf %get3A_548, %get3A_548 : vector<16xf32>
      %add3A_550 = arith.addf %add3A_544, %mul3A_549 : vector<16xf32>
      %get3A_551 = arith.constant 84 : i32
      %get3A_552 = arith.index_cast %get3A_551 : i32 to index
      %get3A_553 = arith.index_cast %mul3A_26 : i32 to index
      %get3A_554 = tpu.vector_load %arg4[%get3A_552, %get3A_553] {strides = array<i32>} : memref<160x512xf32, #tpu.memory_space<vmem>>, vector<16xf32>,
      %mul3A_555 = arith.mulf %get3A_554, %get3A_554 : vector<16xf32>
      %add3A_556 = arith.addf %add3A_550, %mul3A_555 : vector<16xf32>
      %get3A_557 = arith.constant 85 : i32
      %get3A_558 = arith.index_cast %get3A_557 : i32 to index
      %get3A_559 = arith.index_cast %mul3A_26 : i32 to index
      %get3A_560 = tpu.vector_load %arg4[%get3A_558, %get3A_559] {strides = array<i32>} : memref<160x512xf32, #tpu.memory_space<vmem>>, vector<16xf32>,
      %mul3A_561 = arith.mulf %get3A_560, %get3A_560 : vector<16xf32>
      %add3A_562 = arith.addf %add3A_556, %mul3A_561 : vector<16xf32>
      %get3A_563 = arith.constant 86 : i32
      %get3A_564 = arith.index_cast %get3A_563 : i32 to index
      %get3A_565 = arith.index_cast %mul3A_26 : i32 to index
      %get3A_566 = tpu.vector_load %arg4[%get3A_564, %get3A_565] {strides = array<i32>} : memref<160x512xf32, #tpu.memory_space<vmem>>, vector<16xf32>,
      %mul3A_567 = arith.mulf %get3A_566, %get3A_566 : vector<16xf32>
      %add3A_568 = arith.addf %add3A_562, %mul3A_567 : vector<16xf32>
      %get3A_569 = arith.constant 87 : i32
      %get3A_570 = arith.index_cast %get3A_569 : i32 to index
      %get3A_571 = arith.index_cast %mul3A_26 : i32 to index
      %get3A_572 = tpu.vector_load %arg4[%get3A_570, %get3A_571] {strides = array<i32>} : memref<160x512xf32, #tpu.memory_space<vmem>>, vector<16xf32>,
      %mul3A_573 = arith.mulf %get3A_572, %get3A_572 : vector<16xf32>
      %add3A_574 = arith.addf %add3A_568, %mul3A_573 : vector<16xf32>
      %get3A_575 = arith.constant 88 : i32
      %get3A_576 = arith.index_cast %get3A_575 : i32 to index
      %get3A_577 = arith.index_cast %mul3A_26 : i32 to index
      %get3A_578 = tpu.vector_load %arg4[%get3A_576, %get3A_577] {strides = array<i32>} : memref<160x512xf32, #tpu.memory_space<vmem>>, vector<16xf32>,
      %mul3A_579 = arith.mulf %get3A_578, %get3A_578 : vector<16xf32>
      %add3A_580 = arith.addf %add3A_574, %mul3A_579 : vector<16xf32>
      %get3A_581 = arith.constant 89 : i32
      %get3A_582 = arith.index_cast %get3A_581 : i32 to index
      %get3A_583 = arith.index_cast %mul3A_26 : i32 to index
      %get3A_584 = tpu.vector_load %arg4[%get3A_582, %get3A_583] {strides = array<i32>} : memref<160x512xf32, #tpu.memory_space<vmem>>, vector<16xf32>,
      %mul3A_585 = arith.mulf %get3A_584, %get3A_584 : vector<16xf32>
      %add3A_586 = arith.addf %add3A_580, %mul3A_585 : vector<16xf32>
      %get3A_587 = arith.constant 90 : i32
      %get3A_588 = arith.index_cast %get3A_587 : i32 to index
      %get3A_589 = arith.index_cast %mul3A_26 : i32 to index
      %get3A_590 = tpu.vector_load %arg4[%get3A_588, %get3A_589] {strides = array<i32>} : memref<160x512xf32, #tpu.memory_space<vmem>>, vector<16xf32>,
      %mul3A_591 = arith.mulf %get3A_590, %get3A_590 : vector<16xf32>
      %add3A_592 = arith.addf %add3A_586, %mul3A_591 : vector<16xf32>
      %get3A_593 = arith.constant 91 : i32
      %get3A_594 = arith.index_cast %get3A_593 : i32 to index
      %get3A_595 = arith.index_cast %mul3A_26 : i32 to index
      %get3A_596 = tpu.vector_load %arg4[%get3A_594, %get3A_595] {strides = array<i32>} : memref<160x512xf32, #tpu.memory_space<vmem>>, vector<16xf32>,
      %mul3A_597 = arith.mulf %get3A_596, %get3A_596 : vector<16xf32>
      %add3A_598 = arith.addf %add3A_592, %mul3A_597 : vector<16xf32>
      %get3A_599 = arith.constant 92 : i32
      %get3A_600 = arith.index_cast %get3A_599 : i32 to index
      %get3A_601 = arith.index_cast %mul3A_26 : i32 to index
      %get3A_602 = tpu.vector_load %arg4[%get3A_600, %get3A_601] {strides = array<i32>} : memref<160x512xf32, #tpu.memory_space<vmem>>, vector<16xf32>,
      %mul3A_603 = arith.mulf %get3A_602, %get3A_602 : vector<16xf32>
      %add3A_604 = arith.addf %add3A_598, %mul3A_603 : vector<16xf32>
      %get3A_605 = arith.constant 93 : i32
      %get3A_606 = arith.index_cast %get3A_605 : i32 to index
      %get3A_607 = arith.index_cast %mul3A_26 : i32 to index
      %get3A_608 = tpu.vector_load %arg4[%get3A_606, %get3A_607] {strides = array<i32>} : memref<160x512xf32, #tpu.memory_space<vmem>>, vector<16xf32>,
      %mul3A_609 = arith.mulf %get3A_608, %get3A_608 : vector<16xf32>
      %add3A_610 = arith.addf %add3A_604, %mul3A_609 : vector<16xf32>
      %get3A_611 = arith.constant 94 : i32
      %get3A_612 = arith.index_cast %get3A_611 : i32 to index
      %get3A_613 = arith.index_cast %mul3A_26 : i32 to index
      %get3A_614 = tpu.vector_load %arg4[%get3A_612, %get3A_613] {strides = array<i32>} : memref<160x512xf32, #tpu.memory_space<vmem>>, vector<16xf32>,
      %mul3A_615 = arith.mulf %get3A_614, %get3A_614 : vector<16xf32>
      %add3A_616 = arith.addf %add3A_610, %mul3A_615 : vector<16xf32>
      %get3A_617 = arith.constant 95 : i32
      %get3A_618 = arith.index_cast %get3A_617 : i32 to index
      %get3A_619 = arith.index_cast %mul3A_26 : i32 to index
      %get3A_620 = tpu.vector_load %arg4[%get3A_618, %get3A_619] {strides = array<i32>} : memref<160x512xf32, #tpu.memory_space<vmem>>, vector<16xf32>,
      %mul3A_621 = arith.mulf %get3A_620, %get3A_620 : vector<16xf32>
      %add3A_622 = arith.addf %add3A_616, %mul3A_621 : vector<16xf32>
      %gt3A_623 = arith.cmpf ogt, %add3A_622, %select_n3A_524 : vector<16xf32>
      %select_n3A_624 = arith.select %gt3A_623, %add3A_622, %select_n3A_524 : vector<16xi1>, vector<16xf32>
      %jit3A_625 = arith.constant 5 : i32
      %broadcast_in_dim3A_626 = vector.broadcast %jit3A_625 : i32 to vector<16xi32>
      %select_n3A_627 = arith.select %gt3A_623, %broadcast_in_dim3A_626, %select_n3A_527 : vector<16xi1>, vector<16xi32>
      %get3A_628 = arith.constant 96 : i32
      %get3A_629 = arith.index_cast %get3A_628 : i32 to index
      %get3A_630 = arith.index_cast %mul3A_26 : i32 to index
      %get3A_631 = tpu.vector_load %arg4[%get3A_629, %get3A_630] {strides = array<i32>} : memref<160x512xf32, #tpu.memory_space<vmem>>, vector<16xf32>,
      %mul3A_632 = arith.mulf %get3A_631, %get3A_631 : vector<16xf32>
      %get3A_633 = arith.constant 97 : i32
      %get3A_634 = arith.index_cast %get3A_633 : i32 to index
      %get3A_635 = arith.index_cast %mul3A_26 : i32 to index
      %get3A_636 = tpu.vector_load %arg4[%get3A_634, %get3A_635] {strides = array<i32>} : memref<160x512xf32, #tpu.memory_space<vmem>>, vector<16xf32>,
      %mul3A_637 = arith.mulf %get3A_636, %get3A_636 : vector<16xf32>
      %add3A_638 = arith.addf %mul3A_632, %mul3A_637 : vector<16xf32>
      %get3A_639 = arith.constant 98 : i32
      %get3A_640 = arith.index_cast %get3A_639 : i32 to index
      %get3A_641 = arith.index_cast %mul3A_26 : i32 to index
      %get3A_642 = tpu.vector_load %arg4[%get3A_640, %get3A_641] {strides = array<i32>} : memref<160x512xf32, #tpu.memory_space<vmem>>, vector<16xf32>,
      %mul3A_643 = arith.mulf %get3A_642, %get3A_642 : vector<16xf32>
      %add3A_644 = arith.addf %add3A_638, %mul3A_643 : vector<16xf32>
      %get3A_645 = arith.constant 99 : i32
      %get3A_646 = arith.index_cast %get3A_645 : i32 to index
      %get3A_647 = arith.index_cast %mul3A_26 : i32 to index
      %get3A_648 = tpu.vector_load %arg4[%get3A_646, %get3A_647] {strides = array<i32>} : memref<160x512xf32, #tpu.memory_space<vmem>>, vector<16xf32>,
      %mul3A_649 = arith.mulf %get3A_648, %get3A_648 : vector<16xf32>
      %add3A_650 = arith.addf %add3A_644, %mul3A_649 : vector<16xf32>
      %get3A_651 = arith.constant 100 : i32
      %get3A_652 = arith.index_cast %get3A_651 : i32 to index
      %get3A_653 = arith.index_cast %mul3A_26 : i32 to index
      %get3A_654 = tpu.vector_load %arg4[%get3A_652, %get3A_653] {strides = array<i32>} : memref<160x512xf32, #tpu.memory_space<vmem>>, vector<16xf32>,
      %mul3A_655 = arith.mulf %get3A_654, %get3A_654 : vector<16xf32>
      %add3A_656 = arith.addf %add3A_650, %mul3A_655 : vector<16xf32>
      %get3A_657 = arith.constant 101 : i32
      %get3A_658 = arith.index_cast %get3A_657 : i32 to index
      %get3A_659 = arith.index_cast %mul3A_26 : i32 to index
      %get3A_660 = tpu.vector_load %arg4[%get3A_658, %get3A_659] {strides = array<i32>} : memref<160x512xf32, #tpu.memory_space<vmem>>, vector<16xf32>,
      %mul3A_661 = arith.mulf %get3A_660, %get3A_660 : vector<16xf32>
      %add3A_662 = arith.addf %add3A_656, %mul3A_661 : vector<16xf32>
      %get3A_663 = arith.constant 102 : i32
      %get3A_664 = arith.index_cast %get3A_663 : i32 to index
      %get3A_665 = arith.index_cast %mul3A_26 : i32 to index
      %get3A_666 = tpu.vector_load %arg4[%get3A_664, %get3A_665] {strides = array<i32>} : memref<160x512xf32, #tpu.memory_space<vmem>>, vector<16xf32>,
      %mul3A_667 = arith.mulf %get3A_666, %get3A_666 : vector<16xf32>
      %add3A_668 = arith.addf %add3A_662, %mul3A_667 : vector<16xf32>
      %get3A_669 = arith.constant 103 : i32
      %get3A_670 = arith.index_cast %get3A_669 : i32 to index
      %get3A_671 = arith.index_cast %mul3A_26 : i32 to index
      %get3A_672 = tpu.vector_load %arg4[%get3A_670, %get3A_671] {strides = array<i32>} : memref<160x512xf32, #tpu.memory_space<vmem>>, vector<16xf32>,
      %mul3A_673 = arith.mulf %get3A_672, %get3A_672 : vector<16xf32>
      %add3A_674 = arith.addf %add3A_668, %mul3A_673 : vector<16xf32>
      %get3A_675 = arith.constant 104 : i32
      %get3A_676 = arith.index_cast %get3A_675 : i32 to index
      %get3A_677 = arith.index_cast %mul3A_26 : i32 to index
      %get3A_678 = tpu.vector_load %arg4[%get3A_676, %get3A_677] {strides = array<i32>} : memref<160x512xf32, #tpu.memory_space<vmem>>, vector<16xf32>,
      %mul3A_679 = arith.mulf %get3A_678, %get3A_678 : vector<16xf32>
      %add3A_680 = arith.addf %add3A_674, %mul3A_679 : vector<16xf32>
      %get3A_681 = arith.constant 105 : i32
      %get3A_682 = arith.index_cast %get3A_681 : i32 to index
      %get3A_683 = arith.index_cast %mul3A_26 : i32 to index
      %get3A_684 = tpu.vector_load %arg4[%get3A_682, %get3A_683] {strides = array<i32>} : memref<160x512xf32, #tpu.memory_space<vmem>>, vector<16xf32>,
      %mul3A_685 = arith.mulf %get3A_684, %get3A_684 : vector<16xf32>
      %add3A_686 = arith.addf %add3A_680, %mul3A_685 : vector<16xf32>
      %get3A_687 = arith.constant 106 : i32
      %get3A_688 = arith.index_cast %get3A_687 : i32 to index
      %get3A_689 = arith.index_cast %mul3A_26 : i32 to index
      %get3A_690 = tpu.vector_load %arg4[%get3A_688, %get3A_689] {strides = array<i32>} : memref<160x512xf32, #tpu.memory_space<vmem>>, vector<16xf32>,
      %mul3A_691 = arith.mulf %get3A_690, %get3A_690 : vector<16xf32>
      %add3A_692 = arith.addf %add3A_686, %mul3A_691 : vector<16xf32>
      %get3A_693 = arith.constant 107 : i32
      %get3A_694 = arith.index_cast %get3A_693 : i32 to index
      %get3A_695 = arith.index_cast %mul3A_26 : i32 to index
      %get3A_696 = tpu.vector_load %arg4[%get3A_694, %get3A_695] {strides = array<i32>} : memref<160x512xf32, #tpu.memory_space<vmem>>, vector<16xf32>,
      %mul3A_697 = arith.mulf %get3A_696, %get3A_696 : vector<16xf32>
      %add3A_698 = arith.addf %add3A_692, %mul3A_697 : vector<16xf32>
      %get3A_699 = arith.constant 108 : i32
      %get3A_700 = arith.index_cast %get3A_699 : i32 to index
      %get3A_701 = arith.index_cast %mul3A_26 : i32 to index
      %get3A_702 = tpu.vector_load %arg4[%get3A_700, %get3A_701] {strides = array<i32>} : memref<160x512xf32, #tpu.memory_space<vmem>>, vector<16xf32>,
      %mul3A_703 = arith.mulf %get3A_702, %get3A_702 : vector<16xf32>
      %add3A_704 = arith.addf %add3A_698, %mul3A_703 : vector<16xf32>
      %get3A_705 = arith.constant 109 : i32
      %get3A_706 = arith.index_cast %get3A_705 : i32 to index
      %get3A_707 = arith.index_cast %mul3A_26 : i32 to index
      %get3A_708 = tpu.vector_load %arg4[%get3A_706, %get3A_707] {strides = array<i32>} : memref<160x512xf32, #tpu.memory_space<vmem>>, vector<16xf32>,
      %mul3A_709 = arith.mulf %get3A_708, %get3A_708 : vector<16xf32>
      %add3A_710 = arith.addf %add3A_704, %mul3A_709 : vector<16xf32>
      %get3A_711 = arith.constant 110 : i32
      %get3A_712 = arith.index_cast %get3A_711 : i32 to index
      %get3A_713 = arith.index_cast %mul3A_26 : i32 to index
      %get3A_714 = tpu.vector_load %arg4[%get3A_712, %get3A_713] {strides = array<i32>} : memref<160x512xf32, #tpu.memory_space<vmem>>, vector<16xf32>,
      %mul3A_715 = arith.mulf %get3A_714, %get3A_714 : vector<16xf32>
      %add3A_716 = arith.addf %add3A_710, %mul3A_715 : vector<16xf32>
      %get3A_717 = arith.constant 111 : i32
      %get3A_718 = arith.index_cast %get3A_717 : i32 to index
      %get3A_719 = arith.index_cast %mul3A_26 : i32 to index
      %get3A_720 = tpu.vector_load %arg4[%get3A_718, %get3A_719] {strides = array<i32>} : memref<160x512xf32, #tpu.memory_space<vmem>>, vector<16xf32>,
      %mul3A_721 = arith.mulf %get3A_720, %get3A_720 : vector<16xf32>
      %add3A_722 = arith.addf %add3A_716, %mul3A_721 : vector<16xf32>
      %gt3A_723 = arith.cmpf ogt, %add3A_722, %select_n3A_624 : vector<16xf32>
      %select_n3A_724 = arith.select %gt3A_723, %add3A_722, %select_n3A_624 : vector<16xi1>, vector<16xf32>
      %jit3A_725 = arith.constant 6 : i32
      %broadcast_in_dim3A_726 = vector.broadcast %jit3A_725 : i32 to vector<16xi32>
      %select_n3A_727 = arith.select %gt3A_723, %broadcast_in_dim3A_726, %select_n3A_627 : vector<16xi1>, vector<16xi32>
      %get3A_728 = arith.constant 112 : i32
      %get3A_729 = arith.index_cast %get3A_728 : i32 to index
      %get3A_730 = arith.index_cast %mul3A_26 : i32 to index
      %get3A_731 = tpu.vector_load %arg4[%get3A_729, %get3A_730] {strides = array<i32>} : memref<160x512xf32, #tpu.memory_space<vmem>>, vector<16xf32>,
      %mul3A_732 = arith.mulf %get3A_731, %get3A_731 : vector<16xf32>
      %get3A_733 = arith.constant 113 : i32
      %get3A_734 = arith.index_cast %get3A_733 : i32 to index
      %get3A_735 = arith.index_cast %mul3A_26 : i32 to index
      %get3A_736 = tpu.vector_load %arg4[%get3A_734, %get3A_735] {strides = array<i32>} : memref<160x512xf32, #tpu.memory_space<vmem>>, vector<16xf32>,
      %mul3A_737 = arith.mulf %get3A_736, %get3A_736 : vector<16xf32>
      %add3A_738 = arith.addf %mul3A_732, %mul3A_737 : vector<16xf32>
      %get3A_739 = arith.constant 114 : i32
      %get3A_740 = arith.index_cast %get3A_739 : i32 to index
      %get3A_741 = arith.index_cast %mul3A_26 : i32 to index
      %get3A_742 = tpu.vector_load %arg4[%get3A_740, %get3A_741] {strides = array<i32>} : memref<160x512xf32, #tpu.memory_space<vmem>>, vector<16xf32>,
      %mul3A_743 = arith.mulf %get3A_742, %get3A_742 : vector<16xf32>
      %add3A_744 = arith.addf %add3A_738, %mul3A_743 : vector<16xf32>
      %get3A_745 = arith.constant 115 : i32
      %get3A_746 = arith.index_cast %get3A_745 : i32 to index
      %get3A_747 = arith.index_cast %mul3A_26 : i32 to index
      %get3A_748 = tpu.vector_load %arg4[%get3A_746, %get3A_747] {strides = array<i32>} : memref<160x512xf32, #tpu.memory_space<vmem>>, vector<16xf32>,
      %mul3A_749 = arith.mulf %get3A_748, %get3A_748 : vector<16xf32>
      %add3A_750 = arith.addf %add3A_744, %mul3A_749 : vector<16xf32>
      %get3A_751 = arith.constant 116 : i32
      %get3A_752 = arith.index_cast %get3A_751 : i32 to index
      %get3A_753 = arith.index_cast %mul3A_26 : i32 to index
      %get3A_754 = tpu.vector_load %arg4[%get3A_752, %get3A_753] {strides = array<i32>} : memref<160x512xf32, #tpu.memory_space<vmem>>, vector<16xf32>,
      %mul3A_755 = arith.mulf %get3A_754, %get3A_754 : vector<16xf32>
      %add3A_756 = arith.addf %add3A_750, %mul3A_755 : vector<16xf32>
      %get3A_757 = arith.constant 117 : i32
      %get3A_758 = arith.index_cast %get3A_757 : i32 to index
      %get3A_759 = arith.index_cast %mul3A_26 : i32 to index
      %get3A_760 = tpu.vector_load %arg4[%get3A_758, %get3A_759] {strides = array<i32>} : memref<160x512xf32, #tpu.memory_space<vmem>>, vector<16xf32>,
      %mul3A_761 = arith.mulf %get3A_760, %get3A_760 : vector<16xf32>
      %add3A_762 = arith.addf %add3A_756, %mul3A_761 : vector<16xf32>
      %get3A_763 = arith.constant 118 : i32
      %get3A_764 = arith.index_cast %get3A_763 : i32 to index
      %get3A_765 = arith.index_cast %mul3A_26 : i32 to index
      %get3A_766 = tpu.vector_load %arg4[%get3A_764, %get3A_765] {strides = array<i32>} : memref<160x512xf32, #tpu.memory_space<vmem>>, vector<16xf32>,
      %mul3A_767 = arith.mulf %get3A_766, %get3A_766 : vector<16xf32>
      %add3A_768 = arith.addf %add3A_762, %mul3A_767 : vector<16xf32>
      %get3A_769 = arith.constant 119 : i32
      %get3A_770 = arith.index_cast %get3A_769 : i32 to index
      %get3A_771 = arith.index_cast %mul3A_26 : i32 to index
      %get3A_772 = tpu.vector_load %arg4[%get3A_770, %get3A_771] {strides = array<i32>} : memref<160x512xf32, #tpu.memory_space<vmem>>, vector<16xf32>,
      %mul3A_773 = arith.mulf %get3A_772, %get3A_772 : vector<16xf32>
      %add3A_774 = arith.addf %add3A_768, %mul3A_773 : vector<16xf32>
      %get3A_775 = arith.constant 120 : i32
      %get3A_776 = arith.index_cast %get3A_775 : i32 to index
      %get3A_777 = arith.index_cast %mul3A_26 : i32 to index
      %get3A_778 = tpu.vector_load %arg4[%get3A_776, %get3A_777] {strides = array<i32>} : memref<160x512xf32, #tpu.memory_space<vmem>>, vector<16xf32>,
      %mul3A_779 = arith.mulf %get3A_778, %get3A_778 : vector<16xf32>
      %add3A_780 = arith.addf %add3A_774, %mul3A_779 : vector<16xf32>
      %get3A_781 = arith.constant 121 : i32
      %get3A_782 = arith.index_cast %get3A_781 : i32 to index
      %get3A_783 = arith.index_cast %mul3A_26 : i32 to index
      %get3A_784 = tpu.vector_load %arg4[%get3A_782, %get3A_783] {strides = array<i32>} : memref<160x512xf32, #tpu.memory_space<vmem>>, vector<16xf32>,
      %mul3A_785 = arith.mulf %get3A_784, %get3A_784 : vector<16xf32>
      %add3A_786 = arith.addf %add3A_780, %mul3A_785 : vector<16xf32>
      %get3A_787 = arith.constant 122 : i32
      %get3A_788 = arith.index_cast %get3A_787 : i32 to index
      %get3A_789 = arith.index_cast %mul3A_26 : i32 to index
      %get3A_790 = tpu.vector_load %arg4[%get3A_788, %get3A_789] {strides = array<i32>} : memref<160x512xf32, #tpu.memory_space<vmem>>, vector<16xf32>,
      %mul3A_791 = arith.mulf %get3A_790, %get3A_790 : vector<16xf32>
      %add3A_792 = arith.addf %add3A_786, %mul3A_791 : vector<16xf32>
      %get3A_793 = arith.constant 123 : i32
      %get3A_794 = arith.index_cast %get3A_793 : i32 to index
      %get3A_795 = arith.index_cast %mul3A_26 : i32 to index
      %get3A_796 = tpu.vector_load %arg4[%get3A_794, %get3A_795] {strides = array<i32>} : memref<160x512xf32, #tpu.memory_space<vmem>>, vector<16xf32>,
      %mul3A_797 = arith.mulf %get3A_796, %get3A_796 : vector<16xf32>
      %add3A_798 = arith.addf %add3A_792, %mul3A_797 : vector<16xf32>
      %get3A_799 = arith.constant 124 : i32
      %get3A_800 = arith.index_cast %get3A_799 : i32 to index
      %get3A_801 = arith.index_cast %mul3A_26 : i32 to index
      %get3A_802 = tpu.vector_load %arg4[%get3A_800, %get3A_801] {strides = array<i32>} : memref<160x512xf32, #tpu.memory_space<vmem>>, vector<16xf32>,
      %mul3A_803 = arith.mulf %get3A_802, %get3A_802 : vector<16xf32>
      %add3A_804 = arith.addf %add3A_798, %mul3A_803 : vector<16xf32>
      %get3A_805 = arith.constant 125 : i32
      %get3A_806 = arith.index_cast %get3A_805 : i32 to index
      %get3A_807 = arith.index_cast %mul3A_26 : i32 to index
      %get3A_808 = tpu.vector_load %arg4[%get3A_806, %get3A_807] {strides = array<i32>} : memref<160x512xf32, #tpu.memory_space<vmem>>, vector<16xf32>,
      %mul3A_809 = arith.mulf %get3A_808, %get3A_808 : vector<16xf32>
      %add3A_810 = arith.addf %add3A_804, %mul3A_809 : vector<16xf32>
      %get3A_811 = arith.constant 126 : i32
      %get3A_812 = arith.index_cast %get3A_811 : i32 to index
      %get3A_813 = arith.index_cast %mul3A_26 : i32 to index
      %get3A_814 = tpu.vector_load %arg4[%get3A_812, %get3A_813] {strides = array<i32>} : memref<160x512xf32, #tpu.memory_space<vmem>>, vector<16xf32>,
      %mul3A_815 = arith.mulf %get3A_814, %get3A_814 : vector<16xf32>
      %add3A_816 = arith.addf %add3A_810, %mul3A_815 : vector<16xf32>
      %get3A_817 = arith.constant 127 : i32
      %get3A_818 = arith.index_cast %get3A_817 : i32 to index
      %get3A_819 = arith.index_cast %mul3A_26 : i32 to index
      %get3A_820 = tpu.vector_load %arg4[%get3A_818, %get3A_819] {strides = array<i32>} : memref<160x512xf32, #tpu.memory_space<vmem>>, vector<16xf32>,
      %mul3A_821 = arith.mulf %get3A_820, %get3A_820 : vector<16xf32>
      %add3A_822 = arith.addf %add3A_816, %mul3A_821 : vector<16xf32>
      %gt3A_823 = arith.cmpf ogt, %add3A_822, %select_n3A_724 : vector<16xf32>
      %select_n3A_824 = arith.select %gt3A_823, %add3A_822, %select_n3A_724 : vector<16xi1>, vector<16xf32>
      %jit3A_825 = arith.constant 7 : i32
      %broadcast_in_dim3A_826 = vector.broadcast %jit3A_825 : i32 to vector<16xi32>
      %select_n3A_827 = arith.select %gt3A_823, %broadcast_in_dim3A_826, %select_n3A_727 : vector<16xi1>, vector<16xi32>
      %get3A_828 = arith.constant 128 : i32
      %get3A_829 = arith.index_cast %get3A_828 : i32 to index
      %get3A_830 = arith.index_cast %mul3A_26 : i32 to index
      %get3A_831 = tpu.vector_load %arg4[%get3A_829, %get3A_830] {strides = array<i32>} : memref<160x512xf32, #tpu.memory_space<vmem>>, vector<16xf32>,
      %mul3A_832 = arith.mulf %get3A_831, %get3A_831 : vector<16xf32>
      %get3A_833 = arith.constant 129 : i32
      %get3A_834 = arith.index_cast %get3A_833 : i32 to index
      %get3A_835 = arith.index_cast %mul3A_26 : i32 to index
      %get3A_836 = tpu.vector_load %arg4[%get3A_834, %get3A_835] {strides = array<i32>} : memref<160x512xf32, #tpu.memory_space<vmem>>, vector<16xf32>,
      %mul3A_837 = arith.mulf %get3A_836, %get3A_836 : vector<16xf32>
      %add3A_838 = arith.addf %mul3A_832, %mul3A_837 : vector<16xf32>
      %get3A_839 = arith.constant 130 : i32
      %get3A_840 = arith.index_cast %get3A_839 : i32 to index
      %get3A_841 = arith.index_cast %mul3A_26 : i32 to index
      %get3A_842 = tpu.vector_load %arg4[%get3A_840, %get3A_841] {strides = array<i32>} : memref<160x512xf32, #tpu.memory_space<vmem>>, vector<16xf32>,
      %mul3A_843 = arith.mulf %get3A_842, %get3A_842 : vector<16xf32>
      %add3A_844 = arith.addf %add3A_838, %mul3A_843 : vector<16xf32>
      %get3A_845 = arith.constant 131 : i32
      %get3A_846 = arith.index_cast %get3A_845 : i32 to index
      %get3A_847 = arith.index_cast %mul3A_26 : i32 to index
      %get3A_848 = tpu.vector_load %arg4[%get3A_846, %get3A_847] {strides = array<i32>} : memref<160x512xf32, #tpu.memory_space<vmem>>, vector<16xf32>,
      %mul3A_849 = arith.mulf %get3A_848, %get3A_848 : vector<16xf32>
      %add3A_850 = arith.addf %add3A_844, %mul3A_849 : vector<16xf32>
      %get3A_851 = arith.constant 132 : i32
      %get3A_852 = arith.index_cast %get3A_851 : i32 to index
      %get3A_853 = arith.index_cast %mul3A_26 : i32 to index
      %get3A_854 = tpu.vector_load %arg4[%get3A_852, %get3A_853] {strides = array<i32>} : memref<160x512xf32, #tpu.memory_space<vmem>>, vector<16xf32>,
      %mul3A_855 = arith.mulf %get3A_854, %get3A_854 : vector<16xf32>
      %add3A_856 = arith.addf %add3A_850, %mul3A_855 : vector<16xf32>
      %get3A_857 = arith.constant 133 : i32
      %get3A_858 = arith.index_cast %get3A_857 : i32 to index
      %get3A_859 = arith.index_cast %mul3A_26 : i32 to index
      %get3A_860 = tpu.vector_load %arg4[%get3A_858, %get3A_859] {strides = array<i32>} : memref<160x512xf32, #tpu.memory_space<vmem>>, vector<16xf32>,
      %mul3A_861 = arith.mulf %get3A_860, %get3A_860 : vector<16xf32>
      %add3A_862 = arith.addf %add3A_856, %mul3A_861 : vector<16xf32>
      %get3A_863 = arith.constant 134 : i32
      %get3A_864 = arith.index_cast %get3A_863 : i32 to index
      %get3A_865 = arith.index_cast %mul3A_26 : i32 to index
      %get3A_866 = tpu.vector_load %arg4[%get3A_864, %get3A_865] {strides = array<i32>} : memref<160x512xf32, #tpu.memory_space<vmem>>, vector<16xf32>,
      %mul3A_867 = arith.mulf %get3A_866, %get3A_866 : vector<16xf32>
      %add3A_868 = arith.addf %add3A_862, %mul3A_867 : vector<16xf32>
      %get3A_869 = arith.constant 135 : i32
      %get3A_870 = arith.index_cast %get3A_869 : i32 to index
      %get3A_871 = arith.index_cast %mul3A_26 : i32 to index
      %get3A_872 = tpu.vector_load %arg4[%get3A_870, %get3A_871] {strides = array<i32>} : memref<160x512xf32, #tpu.memory_space<vmem>>, vector<16xf32>,
      %mul3A_873 = arith.mulf %get3A_872, %get3A_872 : vector<16xf32>
      %add3A_874 = arith.addf %add3A_868, %mul3A_873 : vector<16xf32>
      %get3A_875 = arith.constant 136 : i32
      %get3A_876 = arith.index_cast %get3A_875 : i32 to index
      %get3A_877 = arith.index_cast %mul3A_26 : i32 to index
      %get3A_878 = tpu.vector_load %arg4[%get3A_876, %get3A_877] {strides = array<i32>} : memref<160x512xf32, #tpu.memory_space<vmem>>, vector<16xf32>,
      %mul3A_879 = arith.mulf %get3A_878, %get3A_878 : vector<16xf32>
      %add3A_880 = arith.addf %add3A_874, %mul3A_879 : vector<16xf32>
      %get3A_881 = arith.constant 137 : i32
      %get3A_882 = arith.index_cast %get3A_881 : i32 to index
      %get3A_883 = arith.index_cast %mul3A_26 : i32 to index
      %get3A_884 = tpu.vector_load %arg4[%get3A_882, %get3A_883] {strides = array<i32>} : memref<160x512xf32, #tpu.memory_space<vmem>>, vector<16xf32>,
      %mul3A_885 = arith.mulf %get3A_884, %get3A_884 : vector<16xf32>
      %add3A_886 = arith.addf %add3A_880, %mul3A_885 : vector<16xf32>
      %get3A_887 = arith.constant 138 : i32
      %get3A_888 = arith.index_cast %get3A_887 : i32 to index
      %get3A_889 = arith.index_cast %mul3A_26 : i32 to index
      %get3A_890 = tpu.vector_load %arg4[%get3A_888, %get3A_889] {strides = array<i32>} : memref<160x512xf32, #tpu.memory_space<vmem>>, vector<16xf32>,
      %mul3A_891 = arith.mulf %get3A_890, %get3A_890 : vector<16xf32>
      %add3A_892 = arith.addf %add3A_886, %mul3A_891 : vector<16xf32>
      %get3A_893 = arith.constant 139 : i32
      %get3A_894 = arith.index_cast %get3A_893 : i32 to index
      %get3A_895 = arith.index_cast %mul3A_26 : i32 to index
      %get3A_896 = tpu.vector_load %arg4[%get3A_894, %get3A_895] {strides = array<i32>} : memref<160x512xf32, #tpu.memory_space<vmem>>, vector<16xf32>,
      %mul3A_897 = arith.mulf %get3A_896, %get3A_896 : vector<16xf32>
      %add3A_898 = arith.addf %add3A_892, %mul3A_897 : vector<16xf32>
      %get3A_899 = arith.constant 140 : i32
      %get3A_900 = arith.index_cast %get3A_899 : i32 to index
      %get3A_901 = arith.index_cast %mul3A_26 : i32 to index
      %get3A_902 = tpu.vector_load %arg4[%get3A_900, %get3A_901] {strides = array<i32>} : memref<160x512xf32, #tpu.memory_space<vmem>>, vector<16xf32>,
      %mul3A_903 = arith.mulf %get3A_902, %get3A_902 : vector<16xf32>
      %add3A_904 = arith.addf %add3A_898, %mul3A_903 : vector<16xf32>
      %get3A_905 = arith.constant 141 : i32
      %get3A_906 = arith.index_cast %get3A_905 : i32 to index
      %get3A_907 = arith.index_cast %mul3A_26 : i32 to index
      %get3A_908 = tpu.vector_load %arg4[%get3A_906, %get3A_907] {strides = array<i32>} : memref<160x512xf32, #tpu.memory_space<vmem>>, vector<16xf32>,
      %mul3A_909 = arith.mulf %get3A_908, %get3A_908 : vector<16xf32>
      %add3A_910 = arith.addf %add3A_904, %mul3A_909 : vector<16xf32>
      %get3A_911 = arith.constant 142 : i32
      %get3A_912 = arith.index_cast %get3A_911 : i32 to index
      %get3A_913 = arith.index_cast %mul3A_26 : i32 to index
      %get3A_914 = tpu.vector_load %arg4[%get3A_912, %get3A_913] {strides = array<i32>} : memref<160x512xf32, #tpu.memory_space<vmem>>, vector<16xf32>,
      %mul3A_915 = arith.mulf %get3A_914, %get3A_914 : vector<16xf32>
      %add3A_916 = arith.addf %add3A_910, %mul3A_915 : vector<16xf32>
      %get3A_917 = arith.constant 143 : i32
      %get3A_918 = arith.index_cast %get3A_917 : i32 to index
      %get3A_919 = arith.index_cast %mul3A_26 : i32 to index
      %get3A_920 = tpu.vector_load %arg4[%get3A_918, %get3A_919] {strides = array<i32>} : memref<160x512xf32, #tpu.memory_space<vmem>>, vector<16xf32>,
      %mul3A_921 = arith.mulf %get3A_920, %get3A_920 : vector<16xf32>
      %add3A_922 = arith.addf %add3A_916, %mul3A_921 : vector<16xf32>
      %gt3A_923 = arith.cmpf ogt, %add3A_922, %select_n3A_824 : vector<16xf32>
      %select_n3A_924 = arith.select %gt3A_923, %add3A_922, %select_n3A_824 : vector<16xi1>, vector<16xf32>
      %jit3A_925 = arith.constant 8 : i32
      %broadcast_in_dim3A_926 = vector.broadcast %jit3A_925 : i32 to vector<16xi32>
      %select_n3A_927 = arith.select %gt3A_923, %broadcast_in_dim3A_926, %select_n3A_827 : vector<16xi1>, vector<16xi32>
      %get3A_928 = arith.constant 144 : i32
      %get3A_929 = arith.index_cast %get3A_928 : i32 to index
      %get3A_930 = arith.index_cast %mul3A_26 : i32 to index
      %get3A_931 = tpu.vector_load %arg4[%get3A_929, %get3A_930] {strides = array<i32>} : memref<160x512xf32, #tpu.memory_space<vmem>>, vector<16xf32>,
      %mul3A_932 = arith.mulf %get3A_931, %get3A_931 : vector<16xf32>
      %get3A_933 = arith.constant 145 : i32
      %get3A_934 = arith.index_cast %get3A_933 : i32 to index
      %get3A_935 = arith.index_cast %mul3A_26 : i32 to index
      %get3A_936 = tpu.vector_load %arg4[%get3A_934, %get3A_935] {strides = array<i32>} : memref<160x512xf32, #tpu.memory_space<vmem>>, vector<16xf32>,
      %mul3A_937 = arith.mulf %get3A_936, %get3A_936 : vector<16xf32>
      %add3A_938 = arith.addf %mul3A_932, %mul3A_937 : vector<16xf32>
      %get3A_939 = arith.constant 146 : i32
      %get3A_940 = arith.index_cast %get3A_939 : i32 to index
      %get3A_941 = arith.index_cast %mul3A_26 : i32 to index
      %get3A_942 = tpu.vector_load %arg4[%get3A_940, %get3A_941] {strides = array<i32>} : memref<160x512xf32, #tpu.memory_space<vmem>>, vector<16xf32>,
      %mul3A_943 = arith.mulf %get3A_942, %get3A_942 : vector<16xf32>
      %add3A_944 = arith.addf %add3A_938, %mul3A_943 : vector<16xf32>
      %get3A_945 = arith.constant 147 : i32
      %get3A_946 = arith.index_cast %get3A_945 : i32 to index
      %get3A_947 = arith.index_cast %mul3A_26 : i32 to index
      %get3A_948 = tpu.vector_load %arg4[%get3A_946, %get3A_947] {strides = array<i32>} : memref<160x512xf32, #tpu.memory_space<vmem>>, vector<16xf32>,
      %mul3A_949 = arith.mulf %get3A_948, %get3A_948 : vector<16xf32>
      %add3A_950 = arith.addf %add3A_944, %mul3A_949 : vector<16xf32>
      %get3A_951 = arith.constant 148 : i32
      %get3A_952 = arith.index_cast %get3A_951 : i32 to index
      %get3A_953 = arith.index_cast %mul3A_26 : i32 to index
      %get3A_954 = tpu.vector_load %arg4[%get3A_952, %get3A_953] {strides = array<i32>} : memref<160x512xf32, #tpu.memory_space<vmem>>, vector<16xf32>,
      %mul3A_955 = arith.mulf %get3A_954, %get3A_954 : vector<16xf32>
      %add3A_956 = arith.addf %add3A_950, %mul3A_955 : vector<16xf32>
      %get3A_957 = arith.constant 149 : i32
      %get3A_958 = arith.index_cast %get3A_957 : i32 to index
      %get3A_959 = arith.index_cast %mul3A_26 : i32 to index
      %get3A_960 = tpu.vector_load %arg4[%get3A_958, %get3A_959] {strides = array<i32>} : memref<160x512xf32, #tpu.memory_space<vmem>>, vector<16xf32>,
      %mul3A_961 = arith.mulf %get3A_960, %get3A_960 : vector<16xf32>
      %add3A_962 = arith.addf %add3A_956, %mul3A_961 : vector<16xf32>
      %get3A_963 = arith.constant 150 : i32
      %get3A_964 = arith.index_cast %get3A_963 : i32 to index
      %get3A_965 = arith.index_cast %mul3A_26 : i32 to index
      %get3A_966 = tpu.vector_load %arg4[%get3A_964, %get3A_965] {strides = array<i32>} : memref<160x512xf32, #tpu.memory_space<vmem>>, vector<16xf32>,
      %mul3A_967 = arith.mulf %get3A_966, %get3A_966 : vector<16xf32>
      %add3A_968 = arith.addf %add3A_962, %mul3A_967 : vector<16xf32>
      %get3A_969 = arith.constant 151 : i32
      %get3A_970 = arith.index_cast %get3A_969 : i32 to index
      %get3A_971 = arith.index_cast %mul3A_26 : i32 to index
      %get3A_972 = tpu.vector_load %arg4[%get3A_970, %get3A_971] {strides = array<i32>} : memref<160x512xf32, #tpu.memory_space<vmem>>, vector<16xf32>,
      %mul3A_973 = arith.mulf %get3A_972, %get3A_972 : vector<16xf32>
      %add3A_974 = arith.addf %add3A_968, %mul3A_973 : vector<16xf32>
      %get3A_975 = arith.constant 152 : i32
      %get3A_976 = arith.index_cast %get3A_975 : i32 to index
      %get3A_977 = arith.index_cast %mul3A_26 : i32 to index
      %get3A_978 = tpu.vector_load %arg4[%get3A_976, %get3A_977] {strides = array<i32>} : memref<160x512xf32, #tpu.memory_space<vmem>>, vector<16xf32>,
      %mul3A_979 = arith.mulf %get3A_978, %get3A_978 : vector<16xf32>
      %add3A_980 = arith.addf %add3A_974, %mul3A_979 : vector<16xf32>
      %get3A_981 = arith.constant 153 : i32
      %get3A_982 = arith.index_cast %get3A_981 : i32 to index
      %get3A_983 = arith.index_cast %mul3A_26 : i32 to index
      %get3A_984 = tpu.vector_load %arg4[%get3A_982, %get3A_983] {strides = array<i32>} : memref<160x512xf32, #tpu.memory_space<vmem>>, vector<16xf32>,
      %mul3A_985 = arith.mulf %get3A_984, %get3A_984 : vector<16xf32>
      %add3A_986 = arith.addf %add3A_980, %mul3A_985 : vector<16xf32>
      %get3A_987 = arith.constant 154 : i32
      %get3A_988 = arith.index_cast %get3A_987 : i32 to index
      %get3A_989 = arith.index_cast %mul3A_26 : i32 to index
      %get3A_990 = tpu.vector_load %arg4[%get3A_988, %get3A_989] {strides = array<i32>} : memref<160x512xf32, #tpu.memory_space<vmem>>, vector<16xf32>,
      %mul3A_991 = arith.mulf %get3A_990, %get3A_990 : vector<16xf32>
      %add3A_992 = arith.addf %add3A_986, %mul3A_991 : vector<16xf32>
      %get3A_993 = arith.constant 155 : i32
      %get3A_994 = arith.index_cast %get3A_993 : i32 to index
      %get3A_995 = arith.index_cast %mul3A_26 : i32 to index
      %get3A_996 = tpu.vector_load %arg4[%get3A_994, %get3A_995] {strides = array<i32>} : memref<160x512xf32, #tpu.memory_space<vmem>>, vector<16xf32>,
      %mul3A_997 = arith.mulf %get3A_996, %get3A_996 : vector<16xf32>
      %add3A_998 = arith.addf %add3A_992, %mul3A_997 : vector<16xf32>
      %get3A_999 = arith.constant 156 : i32
      %get3A_1000 = arith.index_cast %get3A_999 : i32 to index
      %get3A_1001 = arith.index_cast %mul3A_26 : i32 to index
      %get3A_1002 = tpu.vector_load %arg4[%get3A_1000, %get3A_1001] {strides = array<i32>} : memref<160x512xf32, #tpu.memory_space<vmem>>, vector<16xf32>,
      %mul3A_1003 = arith.mulf %get3A_1002, %get3A_1002 : vector<16xf32>
      %add3A_1004 = arith.addf %add3A_998, %mul3A_1003 : vector<16xf32>
      %get3A_1005 = arith.constant 157 : i32
      %get3A_1006 = arith.index_cast %get3A_1005 : i32 to index
      %get3A_1007 = arith.index_cast %mul3A_26 : i32 to index
      %get3A_1008 = tpu.vector_load %arg4[%get3A_1006, %get3A_1007] {strides = array<i32>} : memref<160x512xf32, #tpu.memory_space<vmem>>, vector<16xf32>,
      %mul3A_1009 = arith.mulf %get3A_1008, %get3A_1008 : vector<16xf32>
      %add3A_1010 = arith.addf %add3A_1004, %mul3A_1009 : vector<16xf32>
      %get3A_1011 = arith.constant 158 : i32
      %get3A_1012 = arith.index_cast %get3A_1011 : i32 to index
      %get3A_1013 = arith.index_cast %mul3A_26 : i32 to index
      %get3A_1014 = tpu.vector_load %arg4[%get3A_1012, %get3A_1013] {strides = array<i32>} : memref<160x512xf32, #tpu.memory_space<vmem>>, vector<16xf32>,
      %mul3A_1015 = arith.mulf %get3A_1014, %get3A_1014 : vector<16xf32>
      %add3A_1016 = arith.addf %add3A_1010, %mul3A_1015 : vector<16xf32>
      %get3A_1017 = arith.constant 159 : i32
      %get3A_1018 = arith.index_cast %get3A_1017 : i32 to index
      %get3A_1019 = arith.index_cast %mul3A_26 : i32 to index
      %get3A_1020 = tpu.vector_load %arg4[%get3A_1018, %get3A_1019] {strides = array<i32>} : memref<160x512xf32, #tpu.memory_space<vmem>>, vector<16xf32>,
      %mul3A_1021 = arith.mulf %get3A_1020, %get3A_1020 : vector<16xf32>
      %add3A_1022 = arith.addf %add3A_1016, %mul3A_1021 : vector<16xf32>
      %gt3A_1023 = arith.cmpf ogt, %add3A_1022, %select_n3A_924 : vector<16xf32>
      %select_n3A_1024 = arith.select %gt3A_1023, %add3A_1022, %select_n3A_924 : vector<16xi1>, vector<16xf32>
      %jit3A_1025 = arith.constant 9 : i32
      %broadcast_in_dim3A_1026 = vector.broadcast %jit3A_1025 : i32 to vector<16xi32>
      %select_n3A_1027 = arith.select %gt3A_1023, %broadcast_in_dim3A_1026, %select_n3A_927 : vector<16xi1>, vector<16xi32>
      %jit3A_1028 = arith.constant 8 : i32
      %div3A_1029 = arith.divsi %scan3A_24, %jit3A_1028 : i32
      %sign3A_1030 = arith.constant 0 : i32
      %sign3A_1031 = arith.cmpi sgt, %scan3A_24, %sign3A_1030 : i32
      %sign3A_1032 = arith.extui %sign3A_1031 : i1 to i32
      %sign3A_1033 = arith.constant 0 : i32
      %sign3A_1034 = arith.cmpi slt, %scan3A_24, %sign3A_1033 : i32
      %sign3A_1035 = arith.extui %sign3A_1034 : i1 to i32
      %sign3A_1036 = arith.subi %sign3A_1032, %sign3A_1035 : i32
      %sign3A_1037 = arith.constant 0 : i32
      %sign3A_1038 = arith.cmpi sgt, %jit3A_1028, %sign3A_1037 : i32
      %sign3A_1039 = arith.extui %sign3A_1038 : i1 to i32
      %sign3A_1040 = arith.constant 0 : i32
      %sign3A_1041 = arith.cmpi slt, %jit3A_1028, %sign3A_1040 : i32
      %sign3A_1042 = arith.extui %sign3A_1041 : i1 to i32
      %sign3A_1043 = arith.subi %sign3A_1039, %sign3A_1042 : i32
      %ne3A_1044 = arith.cmpi ne, %sign3A_1036, %sign3A_1043 : i32
      %rem3A_1045 = arith.remsi %scan3A_24, %jit3A_1028 : i32
      %ne3A_1046 = arith.constant 0 : i32
      %ne3A_1047 = arith.cmpi ne, %rem3A_1045, %ne3A_1046 : i32
      %and3A_1048 = arith.andi %ne3A_1044, %ne3A_1047 : i1
      %sub3A_1049 = arith.constant 1 : i32
      %sub3A_1050 = arith.subi %div3A_1029, %sub3A_1049 : i32
      %select_n3A_1051 = arith.select %and3A_1048, %sub3A_1050, %div3A_1029 : i32
      %jit3A_1052 = arith.constant 8 : i32
      %eq3A = arith.constant 0 : i32
      %eq3A_1053 = arith.cmpi eq, %jit3A_1052, %eq3A : i32
      %jit3A_1054 = arith.constant 1 : i32
      %select_n3A_1055 = arith.select %eq3A_1053, %jit3A_1054, %jit3A_1052 : i32
      %rem3A_1056 = arith.remsi %scan3A_24, %select_n3A_1055 : i32
      %ne3A_1057 = arith.constant 0 : i32
      %ne3A_1058 = arith.cmpi ne, %rem3A_1056, %ne3A_1057 : i32
      %lt3A = arith.constant 0 : i32
      %lt3A_1059 = arith.cmpi slt, %rem3A_1056, %lt3A : i32
      %lt3A_1060 = arith.constant 0 : i32
      %lt3A_1061 = arith.cmpi slt, %select_n3A_1055, %lt3A_1060 : i32
      %ne3A_1062 = arith.xori %lt3A_1059, %lt3A_1061 : i1
      %and3A_1063 = arith.andi %ne3A_1062, %ne3A_1058 : i1
      %add3A_1064 = arith.addi %rem3A_1056, %select_n3A_1055 : i32
      %select_n3A_1065 = arith.select %and3A_1063, %add3A_1064, %rem3A_1056 : i32
      %mul3A_1066 = arith.constant 16 : i32
      %mul3A_1067 = arith.muli %select_n3A_1065, %mul3A_1066 : i32
      %eq3A_1068 = arith.constant 0 : i32
      %eq3A_1069 = vector.broadcast %eq3A_1068 : i32 to vector<16xi32>
      %eq3A_1070 = arith.cmpi eq, %select_n3A_1027, %eq3A_1069 : vector<16xi32>
      %jit3A_1071 = arith.constant 1.000000e+00 : f32
      %jit3A_1072 = arith.constant 0.000000e+00 : f32
      %broadcast_in_dim3A_1073 = vector.broadcast %jit3A_1071 : f32 to vector<16xf32>
      %broadcast_in_dim3A_1074 = vector.broadcast %jit3A_1072 : f32 to vector<16xf32>
      %select_n3A_1075 = arith.select %eq3A_1070, %broadcast_in_dim3A_1073, %broadcast_in_dim3A_1074 : vector<16xi1>, vector<16xf32>
      %swap3A = arith.constant 0 : i32
      %swap3A_1076 = arith.constant 0 : i32
      %swap3A_1077 = arith.index_cast %swap3A : i32 to index
      %swap3A_1078 = arith.index_cast %select_n3A_1051 : i32 to index
      %swap3A_1079 = arith.index_cast %swap3A_1076 : i32 to index
      %swap3A_1080 = arith.index_cast %mul3A_1067 : i32 to index
      %swap3A_1081 = tpu.vector_load %arg5[%swap3A_1077, %swap3A_1078, %swap3A_1079, %swap3A_1080] {strides = array<i32>} : memref<2x4x8x128xf32, #tpu.memory_space<vmem>>, vector<16xf32>,
      tpu.vector_store %arg5[%swap3A_1077, %swap3A_1078, %swap3A_1079, %swap3A_1080], %select_n3A_1075 {strides = array<i32>} : memref<2x4x8x128xf32, #tpu.memory_space<vmem>>, vector<16xf32>,
      %eq3A_1082 = arith.constant 1 : i32
      %eq3A_1083 = vector.broadcast %eq3A_1082 : i32 to vector<16xi32>
      %eq3A_1084 = arith.cmpi eq, %select_n3A_1027, %eq3A_1083 : vector<16xi32>
      %jit3A_1085 = arith.constant 1.000000e+00 : f32
      %jit3A_1086 = arith.constant 0.000000e+00 : f32
      %broadcast_in_dim3A_1087 = vector.broadcast %jit3A_1085 : f32 to vector<16xf32>
      %broadcast_in_dim3A_1088 = vector.broadcast %jit3A_1086 : f32 to vector<16xf32>
      %select_n3A_1089 = arith.select %eq3A_1084, %broadcast_in_dim3A_1087, %broadcast_in_dim3A_1088 : vector<16xi1>, vector<16xf32>
      %swap3A_1090 = arith.constant 0 : i32
      %swap3A_1091 = arith.constant 1 : i32
      %swap3A_1092 = arith.index_cast %swap3A_1090 : i32 to index
      %swap3A_1093 = arith.index_cast %select_n3A_1051 : i32 to index
      %swap3A_1094 = arith.index_cast %swap3A_1091 : i32 to index
      %swap3A_1095 = arith.index_cast %mul3A_1067 : i32 to index
      %swap3A_1096 = tpu.vector_load %arg5[%swap3A_1092, %swap3A_1093, %swap3A_1094, %swap3A_1095] {strides = array<i32>} : memref<2x4x8x128xf32, #tpu.memory_space<vmem>>, vector<16xf32>,
      tpu.vector_store %arg5[%swap3A_1092, %swap3A_1093, %swap3A_1094, %swap3A_1095], %select_n3A_1089 {strides = array<i32>} : memref<2x4x8x128xf32, #tpu.memory_space<vmem>>, vector<16xf32>,
      %eq3A_1097 = arith.constant 2 : i32
      %eq3A_1098 = vector.broadcast %eq3A_1097 : i32 to vector<16xi32>
      %eq3A_1099 = arith.cmpi eq, %select_n3A_1027, %eq3A_1098 : vector<16xi32>
      %jit3A_1100 = arith.constant 1.000000e+00 : f32
      %jit3A_1101 = arith.constant 0.000000e+00 : f32
      %broadcast_in_dim3A_1102 = vector.broadcast %jit3A_1100 : f32 to vector<16xf32>
      %broadcast_in_dim3A_1103 = vector.broadcast %jit3A_1101 : f32 to vector<16xf32>
      %select_n3A_1104 = arith.select %eq3A_1099, %broadcast_in_dim3A_1102, %broadcast_in_dim3A_1103 : vector<16xi1>, vector<16xf32>
      %swap3A_1105 = arith.constant 0 : i32
      %swap3A_1106 = arith.constant 2 : i32
      %swap3A_1107 = arith.index_cast %swap3A_1105 : i32 to index
      %swap3A_1108 = arith.index_cast %select_n3A_1051 : i32 to index
      %swap3A_1109 = arith.index_cast %swap3A_1106 : i32 to index
      %swap3A_1110 = arith.index_cast %mul3A_1067 : i32 to index
      %swap3A_1111 = tpu.vector_load %arg5[%swap3A_1107, %swap3A_1108, %swap3A_1109, %swap3A_1110] {strides = array<i32>} : memref<2x4x8x128xf32, #tpu.memory_space<vmem>>, vector<16xf32>,
      tpu.vector_store %arg5[%swap3A_1107, %swap3A_1108, %swap3A_1109, %swap3A_1110], %select_n3A_1104 {strides = array<i32>} : memref<2x4x8x128xf32, #tpu.memory_space<vmem>>, vector<16xf32>,
      %eq3A_1112 = arith.constant 3 : i32
      %eq3A_1113 = vector.broadcast %eq3A_1112 : i32 to vector<16xi32>
      %eq3A_1114 = arith.cmpi eq, %select_n3A_1027, %eq3A_1113 : vector<16xi32>
      %jit3A_1115 = arith.constant 1.000000e+00 : f32
      %jit3A_1116 = arith.constant 0.000000e+00 : f32
      %broadcast_in_dim3A_1117 = vector.broadcast %jit3A_1115 : f32 to vector<16xf32>
      %broadcast_in_dim3A_1118 = vector.broadcast %jit3A_1116 : f32 to vector<16xf32>
      %select_n3A_1119 = arith.select %eq3A_1114, %broadcast_in_dim3A_1117, %broadcast_in_dim3A_1118 : vector<16xi1>, vector<16xf32>
      %swap3A_1120 = arith.constant 0 : i32
      %swap3A_1121 = arith.constant 3 : i32
      %swap3A_1122 = arith.index_cast %swap3A_1120 : i32 to index
      %swap3A_1123 = arith.index_cast %select_n3A_1051 : i32 to index
      %swap3A_1124 = arith.index_cast %swap3A_1121 : i32 to index
      %swap3A_1125 = arith.index_cast %mul3A_1067 : i32 to index
      %swap3A_1126 = tpu.vector_load %arg5[%swap3A_1122, %swap3A_1123, %swap3A_1124, %swap3A_1125] {strides = array<i32>} : memref<2x4x8x128xf32, #tpu.memory_space<vmem>>, vector<16xf32>,
      tpu.vector_store %arg5[%swap3A_1122, %swap3A_1123, %swap3A_1124, %swap3A_1125], %select_n3A_1119 {strides = array<i32>} : memref<2x4x8x128xf32, #tpu.memory_space<vmem>>, vector<16xf32>,
      %eq3A_1127 = arith.constant 4 : i32
      %eq3A_1128 = vector.broadcast %eq3A_1127 : i32 to vector<16xi32>
      %eq3A_1129 = arith.cmpi eq, %select_n3A_1027, %eq3A_1128 : vector<16xi32>
      %jit3A_1130 = arith.constant 1.000000e+00 : f32
      %jit3A_1131 = arith.constant 0.000000e+00 : f32
      %broadcast_in_dim3A_1132 = vector.broadcast %jit3A_1130 : f32 to vector<16xf32>
      %broadcast_in_dim3A_1133 = vector.broadcast %jit3A_1131 : f32 to vector<16xf32>
      %select_n3A_1134 = arith.select %eq3A_1129, %broadcast_in_dim3A_1132, %broadcast_in_dim3A_1133 : vector<16xi1>, vector<16xf32>
      %swap3A_1135 = arith.constant 0 : i32
      %swap3A_1136 = arith.constant 4 : i32
      %swap3A_1137 = arith.index_cast %swap3A_1135 : i32 to index
      %swap3A_1138 = arith.index_cast %select_n3A_1051 : i32 to index
      %swap3A_1139 = arith.index_cast %swap3A_1136 : i32 to index
      %swap3A_1140 = arith.index_cast %mul3A_1067 : i32 to index
      %swap3A_1141 = tpu.vector_load %arg5[%swap3A_1137, %swap3A_1138, %swap3A_1139, %swap3A_1140] {strides = array<i32>} : memref<2x4x8x128xf32, #tpu.memory_space<vmem>>, vector<16xf32>,
      tpu.vector_store %arg5[%swap3A_1137, %swap3A_1138, %swap3A_1139, %swap3A_1140], %select_n3A_1134 {strides = array<i32>} : memref<2x4x8x128xf32, #tpu.memory_space<vmem>>, vector<16xf32>,
      %eq3A_1142 = arith.constant 5 : i32
      %eq3A_1143 = vector.broadcast %eq3A_1142 : i32 to vector<16xi32>
      %eq3A_1144 = arith.cmpi eq, %select_n3A_1027, %eq3A_1143 : vector<16xi32>
      %jit3A_1145 = arith.constant 1.000000e+00 : f32
      %jit3A_1146 = arith.constant 0.000000e+00 : f32
      %broadcast_in_dim3A_1147 = vector.broadcast %jit3A_1145 : f32 to vector<16xf32>
      %broadcast_in_dim3A_1148 = vector.broadcast %jit3A_1146 : f32 to vector<16xf32>
      %select_n3A_1149 = arith.select %eq3A_1144, %broadcast_in_dim3A_1147, %broadcast_in_dim3A_1148 : vector<16xi1>, vector<16xf32>
      %swap3A_1150 = arith.constant 0 : i32
      %swap3A_1151 = arith.constant 5 : i32
      %swap3A_1152 = arith.index_cast %swap3A_1150 : i32 to index
      %swap3A_1153 = arith.index_cast %select_n3A_1051 : i32 to index
      %swap3A_1154 = arith.index_cast %swap3A_1151 : i32 to index
      %swap3A_1155 = arith.index_cast %mul3A_1067 : i32 to index
      %swap3A_1156 = tpu.vector_load %arg5[%swap3A_1152, %swap3A_1153, %swap3A_1154, %swap3A_1155] {strides = array<i32>} : memref<2x4x8x128xf32, #tpu.memory_space<vmem>>, vector<16xf32>,
      tpu.vector_store %arg5[%swap3A_1152, %swap3A_1153, %swap3A_1154, %swap3A_1155], %select_n3A_1149 {strides = array<i32>} : memref<2x4x8x128xf32, #tpu.memory_space<vmem>>, vector<16xf32>,
      %eq3A_1157 = arith.constant 6 : i32
      %eq3A_1158 = vector.broadcast %eq3A_1157 : i32 to vector<16xi32>
      %eq3A_1159 = arith.cmpi eq, %select_n3A_1027, %eq3A_1158 : vector<16xi32>
      %jit3A_1160 = arith.constant 1.000000e+00 : f32
      %jit3A_1161 = arith.constant 0.000000e+00 : f32
      %broadcast_in_dim3A_1162 = vector.broadcast %jit3A_1160 : f32 to vector<16xf32>
      %broadcast_in_dim3A_1163 = vector.broadcast %jit3A_1161 : f32 to vector<16xf32>
      %select_n3A_1164 = arith.select %eq3A_1159, %broadcast_in_dim3A_1162, %broadcast_in_dim3A_1163 : vector<16xi1>, vector<16xf32>
      %swap3A_1165 = arith.constant 0 : i32
      %swap3A_1166 = arith.constant 6 : i32
      %swap3A_1167 = arith.index_cast %swap3A_1165 : i32 to index
      %swap3A_1168 = arith.index_cast %select_n3A_1051 : i32 to index
      %swap3A_1169 = arith.index_cast %swap3A_1166 : i32 to index
      %swap3A_1170 = arith.index_cast %mul3A_1067 : i32 to index
      %swap3A_1171 = tpu.vector_load %arg5[%swap3A_1167, %swap3A_1168, %swap3A_1169, %swap3A_1170] {strides = array<i32>} : memref<2x4x8x128xf32, #tpu.memory_space<vmem>>, vector<16xf32>,
      tpu.vector_store %arg5[%swap3A_1167, %swap3A_1168, %swap3A_1169, %swap3A_1170], %select_n3A_1164 {strides = array<i32>} : memref<2x4x8x128xf32, #tpu.memory_space<vmem>>, vector<16xf32>,
      %eq3A_1172 = arith.constant 7 : i32
      %eq3A_1173 = vector.broadcast %eq3A_1172 : i32 to vector<16xi32>
      %eq3A_1174 = arith.cmpi eq, %select_n3A_1027, %eq3A_1173 : vector<16xi32>
      %jit3A_1175 = arith.constant 1.000000e+00 : f32
      %jit3A_1176 = arith.constant 0.000000e+00 : f32
      %broadcast_in_dim3A_1177 = vector.broadcast %jit3A_1175 : f32 to vector<16xf32>
      %broadcast_in_dim3A_1178 = vector.broadcast %jit3A_1176 : f32 to vector<16xf32>
      %select_n3A_1179 = arith.select %eq3A_1174, %broadcast_in_dim3A_1177, %broadcast_in_dim3A_1178 : vector<16xi1>, vector<16xf32>
      %swap3A_1180 = arith.constant 0 : i32
      %swap3A_1181 = arith.constant 7 : i32
      %swap3A_1182 = arith.index_cast %swap3A_1180 : i32 to index
      %swap3A_1183 = arith.index_cast %select_n3A_1051 : i32 to index
      %swap3A_1184 = arith.index_cast %swap3A_1181 : i32 to index
      %swap3A_1185 = arith.index_cast %mul3A_1067 : i32 to index
      %swap3A_1186 = tpu.vector_load %arg5[%swap3A_1182, %swap3A_1183, %swap3A_1184, %swap3A_1185] {strides = array<i32>} : memref<2x4x8x128xf32, #tpu.memory_space<vmem>>, vector<16xf32>,
      tpu.vector_store %arg5[%swap3A_1182, %swap3A_1183, %swap3A_1184, %swap3A_1185], %select_n3A_1179 {strides = array<i32>} : memref<2x4x8x128xf32, #tpu.memory_space<vmem>>, vector<16xf32>,
      %eq3A_1187 = arith.constant 8 : i32
      %eq3A_1188 = vector.broadcast %eq3A_1187 : i32 to vector<16xi32>
      %eq3A_1189 = arith.cmpi eq, %select_n3A_1027, %eq3A_1188 : vector<16xi32>
      %jit3A_1190 = arith.constant 1.000000e+00 : f32
      %jit3A_1191 = arith.constant 0.000000e+00 : f32
      %broadcast_in_dim3A_1192 = vector.broadcast %jit3A_1190 : f32 to vector<16xf32>
      %broadcast_in_dim3A_1193 = vector.broadcast %jit3A_1191 : f32 to vector<16xf32>
      %select_n3A_1194 = arith.select %eq3A_1189, %broadcast_in_dim3A_1192, %broadcast_in_dim3A_1193 : vector<16xi1>, vector<16xf32>
      %swap3A_1195 = arith.constant 1 : i32
      %swap3A_1196 = arith.constant 0 : i32
      %swap3A_1197 = arith.index_cast %swap3A_1195 : i32 to index
      %swap3A_1198 = arith.index_cast %select_n3A_1051 : i32 to index
      %swap3A_1199 = arith.index_cast %swap3A_1196 : i32 to index
      %swap3A_1200 = arith.index_cast %mul3A_1067 : i32 to index
      %swap3A_1201 = tpu.vector_load %arg5[%swap3A_1197, %swap3A_1198, %swap3A_1199, %swap3A_1200] {strides = array<i32>} : memref<2x4x8x128xf32, #tpu.memory_space<vmem>>, vector<16xf32>,
      tpu.vector_store %arg5[%swap3A_1197, %swap3A_1198, %swap3A_1199, %swap3A_1200], %select_n3A_1194 {strides = array<i32>} : memref<2x4x8x128xf32, #tpu.memory_space<vmem>>, vector<16xf32>,
      %eq3A_1202 = arith.constant 9 : i32
      %eq3A_1203 = vector.broadcast %eq3A_1202 : i32 to vector<16xi32>
      %eq3A_1204 = arith.cmpi eq, %select_n3A_1027, %eq3A_1203 : vector<16xi32>
      %jit3A_1205 = arith.constant 1.000000e+00 : f32
      %jit3A_1206 = arith.constant 0.000000e+00 : f32
      %broadcast_in_dim3A_1207 = vector.broadcast %jit3A_1205 : f32 to vector<16xf32>
      %broadcast_in_dim3A_1208 = vector.broadcast %jit3A_1206 : f32 to vector<16xf32>
      %select_n3A_1209 = arith.select %eq3A_1204, %broadcast_in_dim3A_1207, %broadcast_in_dim3A_1208 : vector<16xi1>, vector<16xf32>
      %swap3A_1210 = arith.constant 1 : i32
      %swap3A_1211 = arith.constant 1 : i32
      %swap3A_1212 = arith.index_cast %swap3A_1210 : i32 to index
      %swap3A_1213 = arith.index_cast %select_n3A_1051 : i32 to index
      %swap3A_1214 = arith.index_cast %swap3A_1211 : i32 to index
      %swap3A_1215 = arith.index_cast %mul3A_1067 : i32 to index
      %swap3A_1216 = tpu.vector_load %arg5[%swap3A_1212, %swap3A_1213, %swap3A_1214, %swap3A_1215] {strides = array<i32>} : memref<2x4x8x128xf32, #tpu.memory_space<vmem>>, vector<16xf32>,
      tpu.vector_store %arg5[%swap3A_1212, %swap3A_1213, %swap3A_1214, %swap3A_1215], %select_n3A_1209 {strides = array<i32>} : memref<2x4x8x128xf32, #tpu.memory_space<vmem>>, vector<16xf32>,
      %broadcast_in_dim3A_1217 = arith.constant 0.000000e+00 : f32
      %broadcast_in_dim3A_1218 = vector.broadcast %broadcast_in_dim3A_1217 : f32 to vector<16xf32>
      %swap3A_1219 = arith.constant 1 : i32
      %swap3A_1220 = arith.constant 2 : i32
      %swap3A_1221 = arith.index_cast %swap3A_1219 : i32 to index
      %swap3A_1222 = arith.index_cast %select_n3A_1051 : i32 to index
      %swap3A_1223 = arith.index_cast %swap3A_1220 : i32 to index
      %swap3A_1224 = arith.index_cast %mul3A_1067 : i32 to index
      %swap3A_1225 = tpu.vector_load %arg5[%swap3A_1221, %swap3A_1222, %swap3A_1223, %swap3A_1224] {strides = array<i32>} : memref<2x4x8x128xf32, #tpu.memory_space<vmem>>, vector<16xf32>,
      tpu.vector_store %arg5[%swap3A_1221, %swap3A_1222, %swap3A_1223, %swap3A_1224], %broadcast_in_dim3A_1218 {strides = array<i32>} : memref<2x4x8x128xf32, #tpu.memory_space<vmem>>, vector<16xf32>,
      %broadcast_in_dim3A_1226 = arith.constant 0.000000e+00 : f32
      %broadcast_in_dim3A_1227 = vector.broadcast %broadcast_in_dim3A_1226 : f32 to vector<16xf32>
      %swap3A_1228 = arith.constant 1 : i32
      %swap3A_1229 = arith.constant 3 : i32
      %swap3A_1230 = arith.index_cast %swap3A_1228 : i32 to index
      %swap3A_1231 = arith.index_cast %select_n3A_1051 : i32 to index
      %swap3A_1232 = arith.index_cast %swap3A_1229 : i32 to index
      %swap3A_1233 = arith.index_cast %mul3A_1067 : i32 to index
      %swap3A_1234 = tpu.vector_load %arg5[%swap3A_1230, %swap3A_1231, %swap3A_1232, %swap3A_1233] {strides = array<i32>} : memref<2x4x8x128xf32, #tpu.memory_space<vmem>>, vector<16xf32>,
      tpu.vector_store %arg5[%swap3A_1230, %swap3A_1231, %swap3A_1232, %swap3A_1233], %broadcast_in_dim3A_1227 {strides = array<i32>} : memref<2x4x8x128xf32, #tpu.memory_space<vmem>>, vector<16xf32>,
      %broadcast_in_dim3A_1235 = arith.constant 0.000000e+00 : f32
      %broadcast_in_dim3A_1236 = vector.broadcast %broadcast_in_dim3A_1235 : f32 to vector<16xf32>
      %swap3A_1237 = arith.constant 1 : i32
      %swap3A_1238 = arith.constant 4 : i32
      %swap3A_1239 = arith.index_cast %swap3A_1237 : i32 to index
      %swap3A_1240 = arith.index_cast %select_n3A_1051 : i32 to index
      %swap3A_1241 = arith.index_cast %swap3A_1238 : i32 to index
      %swap3A_1242 = arith.index_cast %mul3A_1067 : i32 to index
      %swap3A_1243 = tpu.vector_load %arg5[%swap3A_1239, %swap3A_1240, %swap3A_1241, %swap3A_1242] {strides = array<i32>} : memref<2x4x8x128xf32, #tpu.memory_space<vmem>>, vector<16xf32>,
      tpu.vector_store %arg5[%swap3A_1239, %swap3A_1240, %swap3A_1241, %swap3A_1242], %broadcast_in_dim3A_1236 {strides = array<i32>} : memref<2x4x8x128xf32, #tpu.memory_space<vmem>>, vector<16xf32>,
      %broadcast_in_dim3A_1244 = arith.constant 0.000000e+00 : f32
      %broadcast_in_dim3A_1245 = vector.broadcast %broadcast_in_dim3A_1244 : f32 to vector<16xf32>
      %swap3A_1246 = arith.constant 1 : i32
      %swap3A_1247 = arith.constant 5 : i32
      %swap3A_1248 = arith.index_cast %swap3A_1246 : i32 to index
      %swap3A_1249 = arith.index_cast %select_n3A_1051 : i32 to index
      %swap3A_1250 = arith.index_cast %swap3A_1247 : i32 to index
      %swap3A_1251 = arith.index_cast %mul3A_1067 : i32 to index
      %swap3A_1252 = tpu.vector_load %arg5[%swap3A_1248, %swap3A_1249, %swap3A_1250, %swap3A_1251] {strides = array<i32>} : memref<2x4x8x128xf32, #tpu.memory_space<vmem>>, vector<16xf32>,
      tpu.vector_store %arg5[%swap3A_1248, %swap3A_1249, %swap3A_1250, %swap3A_1251], %broadcast_in_dim3A_1245 {strides = array<i32>} : memref<2x4x8x128xf32, #tpu.memory_space<vmem>>, vector<16xf32>,
      %broadcast_in_dim3A_1253 = arith.constant 0.000000e+00 : f32
      %broadcast_in_dim3A_1254 = vector.broadcast %broadcast_in_dim3A_1253 : f32 to vector<16xf32>
      %swap3A_1255 = arith.constant 1 : i32
      %swap3A_1256 = arith.constant 6 : i32
      %swap3A_1257 = arith.index_cast %swap3A_1255 : i32 to index
      %swap3A_1258 = arith.index_cast %select_n3A_1051 : i32 to index
      %swap3A_1259 = arith.index_cast %swap3A_1256 : i32 to index
      %swap3A_1260 = arith.index_cast %mul3A_1067 : i32 to index
      %swap3A_1261 = tpu.vector_load %arg5[%swap3A_1257, %swap3A_1258, %swap3A_1259, %swap3A_1260] {strides = array<i32>} : memref<2x4x8x128xf32, #tpu.memory_space<vmem>>, vector<16xf32>,
      tpu.vector_store %arg5[%swap3A_1257, %swap3A_1258, %swap3A_1259, %swap3A_1260], %broadcast_in_dim3A_1254 {strides = array<i32>} : memref<2x4x8x128xf32, #tpu.memory_space<vmem>>, vector<16xf32>,
      %broadcast_in_dim3A_1262 = arith.constant 0.000000e+00 : f32
      %broadcast_in_dim3A_1263 = vector.broadcast %broadcast_in_dim3A_1262 : f32 to vector<16xf32>
      %swap3A_1264 = arith.constant 1 : i32
      %swap3A_1265 = arith.constant 7 : i32
      %swap3A_1266 = arith.index_cast %swap3A_1264 : i32 to index
      %swap3A_1267 = arith.index_cast %select_n3A_1051 : i32 to index
      %swap3A_1268 = arith.index_cast %swap3A_1265 : i32 to index
      %swap3A_1269 = arith.index_cast %mul3A_1067 : i32 to index
      %swap3A_1270 = tpu.vector_load %arg5[%swap3A_1266, %swap3A_1267, %swap3A_1268, %swap3A_1269] {strides = array<i32>} : memref<2x4x8x128xf32, #tpu.memory_space<vmem>>, vector<16xf32>,
      tpu.vector_store %arg5[%swap3A_1266, %swap3A_1267, %swap3A_1268, %swap3A_1269], %broadcast_in_dim3A_1263 {strides = array<i32>} : memref<2x4x8x128xf32, #tpu.memory_space<vmem>>, vector<16xf32>,
    }
    %scan3A_7 = arith.constant 32 : i32
    %jit3A = arith.constant 128 : i32
    %div3A = arith.divsi %mul3A_2, %jit3A : i32
    %sign3A = arith.constant 0 : i32
    %sign3A_8 = arith.cmpi sgt, %mul3A_2, %sign3A : i32
    %sign3A_9 = arith.extui %sign3A_8 : i1 to i32
    %sign3A_10 = arith.constant 0 : i32
    %sign3A_11 = arith.cmpi slt, %mul3A_2, %sign3A_10 : i32
    %sign3A_12 = arith.extui %sign3A_11 : i1 to i32
    %sign3A_13 = arith.subi %sign3A_9, %sign3A_12 : i32
    %sign3A_14 = arith.constant 0 : i32
    %sign3A_15 = arith.cmpi sgt, %jit3A, %sign3A_14 : i32
    %sign3A_16 = arith.extui %sign3A_15 : i1 to i32
    %sign3A_17 = arith.constant 0 : i32
    %sign3A_18 = arith.cmpi slt, %jit3A, %sign3A_17 : i32
    %sign3A_19 = arith.extui %sign3A_18 : i1 to i32
    %sign3A_20 = arith.subi %sign3A_16, %sign3A_19 : i32
    %ne3A = arith.cmpi ne, %sign3A_13, %sign3A_20 : i32
    %rem3A = arith.remsi %mul3A_2, %jit3A : i32
    %ne3A_21 = arith.constant 0 : i32
    %ne3A_22 = arith.cmpi ne, %rem3A, %ne3A_21 : i32
    %and3A = arith.andi %ne3A, %ne3A_22 : i1
    %sub3A = arith.constant 1 : i32
    %sub3A_23 = arith.subi %div3A, %sub3A : i32
    %select_n3A = arith.select %and3A, %sub3A_23, %div3A : i32
    "tpu.region"() ({
      %run_scoped3A = tpu.sem_alloc : memref<!tpu.dma_semaphore, #tpu.memory_space<semaphore_mem>>
      %dma_start3A = arith.constant 0 : i32
      %dma_start3A_24 = arith.constant 0 : i32
      %dma_start3A_25 = arith.constant 0 : i32
      %dma_start3A_26 = tpu.memref_slice %arg3[%dma_start3A, %select_n3A, %dma_start3A_24, %dma_start3A_25] : memref<2x128x8x128xf32, #tpu.memory_space<hbm>> -> memref<2x4x8x128xf32, #tpu.memory_space<hbm>>
      %dma_start3A_27 = arith.constant 0 : i32
      %dma_start3A_28 = arith.constant 0 : i32
      %dma_start3A_29 = arith.constant 0 : i32
      %dma_start3A_30 = tpu.memref_slice %arg3[%dma_start3A_27, %select_n3A, %dma_start3A_28, %dma_start3A_29] : memref<2x128x8x128xf32, #tpu.memory_space<hbm>> -> memref<2x4x8x128xf32, #tpu.memory_space<hbm>>
      tpu.enqueue_dma source(%arg5 : memref<2x4x8x128xf32, #tpu.memory_space<vmem>>) target(%dma_start3A_30 : memref<2x4x8x128xf32, #tpu.memory_space<hbm>>) target_semaphore(%run_scoped3A : memref<!tpu.dma_semaphore, #tpu.memory_space<semaphore_mem>>)
      %dma_wait3A = arith.constant 0 : i32
      %dma_wait3A_31 = arith.constant 0 : i32
      %dma_wait3A_32 = arith.constant 0 : i32
      %dma_wait3A_33 = tpu.memref_slice %arg3[%dma_wait3A, %select_n3A, %dma_wait3A_31, %dma_wait3A_32] : memref<2x128x8x128xf32, #tpu.memory_space<hbm>> -> memref<2x4x8x128xf32, #tpu.memory_space<hbm>>
      %dma_wait3A_34 = arith.constant 0 : i32
      %dma_wait3A_35 = arith.constant 0 : i32
      %dma_wait3A_36 = arith.constant 0 : i32
      %dma_wait3A_37 = tpu.memref_slice %arg3[%dma_wait3A_34, %select_n3A, %dma_wait3A_35, %dma_wait3A_36] : memref<2x128x8x128xf32, #tpu.memory_space<hbm>> -> memref<2x4x8x128xf32, #tpu.memory_space<hbm>>
      tpu.wait_dma2 semaphore(%run_scoped3A : memref<!tpu.dma_semaphore, #tpu.memory_space<semaphore_mem>>) src(%arg5 : memref<2x4x8x128xf32, #tpu.memory_space<vmem>>) dst(%dma_wait3A_37 : memref<2x4x8x128xf32, #tpu.memory_space<hbm>>)
      tpu.yield
    }) : () -> ()
    return
  }
}

</mosaic_0001>

<sc_bundles>
// kernel: kernel.3.cloned.1.call-start
scs
__scs_entry_jumppad:
0x0: {  	(pc) =	sbr.rel $0x88, $3  }
0x1: {  	(tag) =	ssettag $0x0;
	lr =	simm.s32 $0x1  }
0x2: {  	[smem:$0x3FA0] =	sst lr;
	_ =	strace $0xD0000000  }
0x3: {  	_ = 	snop  }
0x4: {  	_ = 	snop  }
0x5: {  	_ = 	snop  }
0x6: {  	_ = 	snop  }
0x7: {  	_ = 	snop  }
__scs_overlays_trampoline_lowered:
0x8: {  	[smem:$0x3FAF] =	sst s0  }
0x9: {  	[smem:$0x3FB0] =	sst s1  }
0xa: {  	[smem:$0x3FB1] =	sst s2  }
0xb: {  	[smem:$0x3FB2] =	sst s3  }
0xc: {  	[smem:$0x3FB3] =	sst s4  }
0xd: {  	[smem:$0x3FB4] =	sst s5  }
0xe: {  	[smem:$0x3FB5] =	sst s6  }
0xf: {  	[smem:$0x3FB6] =	sst s7  }
0x10: {  	[smem:$0x3FB7] =	sst s8  }
0x11: {  	[smem:$0x3FB8] =	sst s9;
	s0 =	simm.s32 @!p0 $0x0  }
0x12: {  	s1 =	sld [smem:$0x3F9E];
	s0 =	simm.s32 @p0 $0x1  }
0x13: {  	[smem:$0x3FB9] =	sst s0;
	s0 =	simm.s32 @!p1 $0x0  }
0x14: {  	s2 =	sld [smem:$0x3F9D];
	s0 =	simm.s32 @p1 $0x1  }
0x15: {  	[smem:$0x3FBA] =	sst s0;
	s0 =	simm.s32 @!p2 $0x0  }
0x16: {  	s3 =	sld [smem:$0x3FDB];
	s0 =	simm.s32 @p2 $0x1  }
0x17: {  	s4 =	simm.s32 $0x1BF5;
	[smem:$0x3FBC] =	sst s0  }
0x18: {  	s0 =	sld [smem:$0x3F9F];
	_ =	swait.ge [sflag:s4], $0x0  }
0x19: {  	s7 =	sld [smem:$0x3FA0]  }
0x1a: {  	s8 =	sadd.s32 $0xFFFFE003, lr  }
0x1b: {  	s9 =	sadd.s32 $0xFFFFFEF7, lr;
	s5 =	simm.s32 $0xFFFFFFFF;
	p2 =	slt.u32 s8, $0xFFFFF086  }
0x1c: {  	p1 =	slt.u32 s9, $0xF7A;
	s5 =	simm.s32 @!p2 $0x0  }
0x1d: {  	s5 =	simm.s32 @p1 $0x1;
	p0 =	seq.s32 s7, s2  }
0x1e: {  	s7 =	smul.u32 @!p0 $0xF7A, s2;
	p2 =	seq.s32 @!p0 s5, $0x0  }
0x1f: {  	s9 =	smul.u32 $0xF7A, s1;
	s8 =	simm.s32 @!p0 $0x1BF5;
	p2 =	por !p2, p0  }
0x20: {  	[sflag:s8] =	ssyncset.s32 @!p0 $0xFFFFF086;
	s6 =	sadd.s32 @!p0 s3, s7;
	s7 =	simm.s32 @!p0 $0x108  }
0x21: {  	s3 =	sadd.s32 s3, s9;
	s6 =	sadd.s32 @!p0 $0x88, s6;
	s7 =	simm.s32 @p2 $0x1082  }
0x22: {  	[simem:s7], [sflag:s8] =	dma.local @!p0 [hbm:s6], $0xF7A  }
0x23: {  	s9 =	sor.u32 $0xD0000000, s2;
	s6 =	simm.s32 $0x108;
	_ =	swait.ge @!p0 [sflag:s8], $0x0  }
0x24: {  	s3 =	sadd.s32 $0x88, s3;
	s6 =	simm.s32 @!p1 $0x1082;
	[sflag:s4] =	ssyncset.s32 $0xFFFFF086  }
0x25: {  	[simem:s6], [sflag:s4] =	dma.local [hbm:s3], $0xF7A  }
0x26: {  	[smem:$0x3FA0] =	sst s1;
	(tag) =	ssettag s2;
	_ =	strace s9  }
0x27: {  	s1 =	sld [smem:$0x3FB0]  }
0x28: {  	s2 =	sld [smem:$0x3FB1]  }
0x29: {  	s4 =	sld [smem:$0x3FB3]  }
0x2a: {  	p0 =	seq.s32 s5, $0x0;
	s5 =	sld [smem:$0x3FB4]  }
0x2b: {  	s6 =	sld [smem:$0x3FB5]  }
0x2c: {  	s7 =	sld [smem:$0x3FB6]  }
0x2d: {  	s3 =	simm.s32 $0x108;
	s8 =	sld [smem:$0x3FB7]  }
0x2e: {  	s3 =	simm.s32 @!p0 $0x1082;
	s9 =	sld [smem:$0x3FB8]  }
0x2f: {  	lr =	sadd.s32 s0, s3;
	s0 =	sld [smem:$0x3FAF]  }
0x30: {  	s3 =	sld [smem:$0x3FB2]  }
0x31: {  	[smem:$0x3FBB] =	sst s10  }
0x32: {  	s10 =	sld [smem:$0x3FB9];
	_ =	sdelay $0x3  }
0x33: {  	p0 =	seq.s32 s10, $0x1;
	s10 =	sld [smem:$0x3FBB];
	_ =	sdelay $0x3  }
0x34: {  	[smem:$0x3FBB] =	sst s10  }
0x35: {  	s10 =	sld [smem:$0x3FBA];
	_ =	sdelay $0x3  }
0x36: {  	p1 =	seq.s32 s10, $0x1;
	s10 =	sld [smem:$0x3FBB];
	_ =	sdelay $0x3  }
0x37: {  	[smem:$0x3FBB] =	sst s10  }
0x38: {  	s10 =	sld [smem:$0x3FBC]  }
0x39: {  	_ = 	snop;
	(pc) =	sbr.ind lr, $3  }
0x3a: {  	_ = 	snop  }
0x3b: {  	_ = 	snop  }
0x3c: {  	p2 =	seq.s32 s10, $0x1;
	s10 =	sld [smem:$0x3FBB]  }
0x3d: {  	_ =	shalt  }
0x3e: {  	_ =	shalt  }
0x3f: {  	_ =	shalt  }
0x40: {  	_ =	shalt  }
0x41: {  	_ =	shalt  }
0x42: {  	_ =	shalt  }
0x43: {  	_ =	shalt  }
0x44: {  	_ =	shalt  }
0x45: {  	_ =	shalt  }
0x46: {  	_ =	shalt  }
0x47: {  	_ =	shalt  }
0x48: {  	_ =	shalt  }
0x49: {  	_ =	shalt  }
0x4a: {  	_ =	shalt  }
0x4b: {  	_ =	shalt  }
0x4c: {  	_ =	shalt  }
0x4d: {  	_ =	shalt  }
0x4e: {  	_ =	shalt  }
0x4f: {  	_ =	shalt  }
0x50: {  	_ =	shalt  }
0x51: {  	_ =	shalt  }
0x52: {  	_ =	shalt  }
0x53: {  	_ =	shalt  }
0x54: {  	_ =	shalt  }
0x55: {  	_ =	shalt  }
0x56: {  	_ =	shalt  }
0x57: {  	_ =	shalt  }
0x58: {  	_ =	shalt  }
0x59: {  	_ =	shalt  }
0x5a: {  	_ =	shalt  }
0x5b: {  	_ =	shalt  }
0x5c: {  	_ =	shalt  }
0x5d: {  	_ =	shalt  }
0x5e: {  	_ =	shalt  }
0x5f: {  	_ =	shalt  }
0x60: {  	_ =	shalt  }
0x61: {  	_ =	shalt  }
0x62: {  	_ =	shalt  }
0x63: {  	_ =	shalt  }
0x64: {  	_ =	shalt  }
0x65: {  	_ =	shalt  }
0x66: {  	_ =	shalt  }
0x67: {  	_ =	shalt  }
0x68: {  	_ =	shalt  }
0x69: {  	_ =	shalt  }
0x6a: {  	_ =	shalt  }
0x6b: {  	_ =	shalt  }
0x6c: {  	_ =	shalt  }
0x6d: {  	_ =	shalt  }
0x6e: {  	_ =	shalt  }
0x6f: {  	_ =	shalt  }
0x70: {  	_ =	shalt  }
0x71: {  	_ =	shalt  }
0x72: {  	_ =	shalt  }
0x73: {  	_ =	shalt  }
0x74: {  	_ =	shalt  }
0x75: {  	_ =	shalt  }
0x76: {  	_ =	shalt  }
0x77: {  	_ =	shalt  }
0x78: {  	_ =	shalt  }
0x79: {  	_ =	shalt  }
0x7a: {  	_ =	shalt  }
0x7b: {  	_ =	shalt  }
0x7c: {  	_ =	shalt  }
0x7d: {  	_ =	shalt  }
0x7e: {  	_ =	shalt  }
0x7f: {  	_ =	shalt  }
0x80: {  	_ =	shalt  }
0x81: {  	_ =	shalt  }
0x82: {  	_ =	shalt  }
0x83: {  	_ =	shalt  }
0x84: {  	_ =	shalt  }
0x85: {  	_ =	shalt  }
0x86: {  	_ =	shalt  }
0x87: {  	_ =	shalt  }
.Lfunc_end0:
.L_simem_size_0:
called_computation_lowered:
.L_overlay_start_0:
0x88: {  	s2 =	sld [smem:$0x3FD9]  }
0x89: {  	s3 =	sld [smem:$0x3FFE];
	_ =	sdelay $0x1  }
0x8a: {  	s1 =	srdreg.scid  }
0x8b: {  	s0 =	sand.u32 $0x1, s1  }
0x8c: {  	s18 =	sshll.u32 s0, $0xA;
	s2 =	sadd.s32 s3, s2  }
0x8d: {  	s2 =	sadd.s32 s2, s18  }
0x8e: {  	[smem:$0x3FC7] =	sst s2  }
0x8f: {  	_ = 	snop  }
0x90: {  	s2 =	sld [smem:$0x3FC9]  }
0x91: {  	s19 =	sld [smem:$0x3FD0];
	(tm) =	ssettm $0x1  }
0x92: {  	s4 =	sld [smem:$0x3FFB];
	_ =	sdelay $0x3  }
0x93: {  	_ =	strace s4  }
0x94: {  	s4 =	sld [smem:$0x3FFC];
	_ =	sdelay $0x3  }
0x95: {  	_ =	strace s4  }
0x96: {  	s4 =	sld [smem:$0x3FFD];
	_ =	sdelay $0x3  }
0x97: {  	_ =	strace s4  }
0x98: {  	_ =	strace $0x8FFFFFFF  }
0x99: {  	s20 =	sld [smem:$0x3FDB];
	_ =	sdelay $0x1  }
0x9a: {  	s5 =	simm.s32 $_scs_section_size  }
0x9b: {  	s6 =	simm.s32 $_size__tile_overlayer_lowered;
	s7 =	simm.s32 $_tile_overlayer_lowered  }
0x9c: {  	s23 =	simm.s32 $0x1BFF;
	s22 =	sshll.u32 s7, $0x1;
	s4 =	sadd.s32 s5, s20  }
0x9d: {  	s8 =	simm.s32 $0x0;
	s21 =	sshll.u32 s6, $0x1;
	s6 =	sadd.s32 s22, s4  }
0x9e: {  	[timem:s8], [sflag:s23] =	dma.local [hbm:s6], s21  }
0x9f: {  	_ =	swait.ge [sflag:s23], s21  }
0xa0: {  	s5 =	ssub.s32 $0x0, s21;
	[sflag:s23] =	ssyncset.done $0x0  }
0xa1: {  	[sflag:s23] =	ssyncadd.s32 s5;
	_ =	sdelay $0x1  }
0xa2: {  	s24 =	simm.s32 $0x1B8B  }
0xa3: {  	_ =	swait.ge [sflag:s24], $0x1  }
0xa4: {  	[sflag:s24] =	ssyncset.done $0x0  }
0xa5: {  	s25 =	simm.s32 $0x1B8E;
	[sflag:s24] =	ssyncadd.s32 $0xFFFFFFFF  }
0xa6: {  	s26 =	simm.s32 $execute0_lowered;
	[smem:$0x3FD2] =	sst s25  }
0xa7: {  	s5 =	sshll.u32 s26, $0x1;
	_ =	strace $0x80000046;
	[dreg:$0x1] =	wrdreg $0xFFFFFFFF  }
0xa8: {  	s28 =	simm.s32 $_size_execute0_lowered;
	s4 =	sadd.s32 s4, s5;
	[dreg:$0x0] =	wrdreg $0x0  }
0xa9: {  	s5 =	sshll.u32 s28, $0x1;
	[dreg:$0x2] =	wrdreg s4  }
0xaa: {  	[dreg:$0x3] =	wrdreg s5  }
0xab: {  	[dreg:$0x4] =	wrdreg $0xC0  }
0xac: {  	_ =	task [dreg:s8], $0x5FFFF  }
0xad: {  	[dreg:$0x1] =	wrdreg $0xFFFFFFFF  }
0xae: {  	[dreg:$0x0] =	wrdreg $0x60  }
0xaf: {  	[dreg:$0x2] =	wrdreg s2  }
0xb0: {  	[dreg:$0x3] =	wrdreg s19  }
0xb1: {  	[dreg:$0x4] =	wrdreg $0x9  }
0xb2: {  	_ =	task.clear_ibuf [dreg:s8], $0x5FFFF;
	_ =	strace $0x90000046  }
0xb3: {  	s29 =	simm.s32 $0x9;
	_ =	strace $0x80000048  }
0xb4: {  	_ =	swait.ge [sflag:s29], $0x1  }
0xb5: {  	[sflag:s29] =	ssyncadd.s32 $0xFFFFFFFF  }
0xb6: {  	_ =	strace $0x90000048  }
0xb7: {  	_ =	sfence  }
0xb8: {  	s30 =	sld [smem:$0x0];
	_ =	sdelay $0x2  }
0xb9: {  	s31 =	sshll.u32 s1, $0xD;
	s1 =	sshrl.u32 s1, $0x2  }
0xba: {  	s3 =	sand.u32 $0x4000, s31;
	s1 =	sadd.s32 s1, s30  }
0xbb: {  	s0 =	sor.u32 s3, s0;
	s1 =	sshll.u32 s1, $0x11  }
0xbc: {  	s0 =	sor.u32 s1, s0  }
0xbd: {  	s0 =	sadd.s32 $0x8F2B, s0  }
0xbe: {  	[sflag:s0] =	ssyncadd.remote.s32 $0x1  }
0xbf: {  	_ =	sfence.sel $0xFFFF  }
0xc0: {  	[dreg:$0x0] =	wrdreg $0xFFFFFFFF;
	(pc) =	sbr.abs _section_cstart, $3  }
0xc1: {  	[dreg:$0x1] =	wrdreg $0xFFFFFFFF  }
0xc2: {  	_ =	task.clear_ibuf [dreg:s8], $0x2FFFF;
	_ =	strace $0x9FFFFFFF  }
0xc3: {  	(tm) =	ssettm $0x7FFFFFFF  }
tec
execute0_lowered:
.L_overlay_start_1:
0x0: {  	(tag) =	ssettag $0x1  }
0x1: {  	s3 =	rddreg [dreg:$0x0];
	s0 =	srdreg.scid  }
0x2: {  	s4 =	rddreg [dreg:$0x1];
	s1 =	stileid.u32;
	s2 =	simm.s32 $0x0  }
0x3: {  	s9 =	simm.s32 $0x1000;
	s10 =	simm.s32 $0x20000;
	s11 =	simm.s32 $0x14000  }
0x4: {  	s12 =	simm.s32 $0x0;
	s5 =	sand.u32 $0x1, s0;
	s0 =	rddreg [dreg:$0x2]  }
0x5: {  	s6 =	sshll.u32 s1, $0xA;
	[smem:$0x7FF] =	sst s2;
	s7 =	sshll.u32 s5, $0x9  }
0x6: {  	s5 =	ssub.s32 $0x2, s5;
	_ =	strace $0x80000047;
	s6 =	sor.u32 s7, s6  }
0x7: {  	s31 =	sshrl.u32 s5, $0x1;
	s7 =	simm.s32 $0x4000;
	s8 =	sshrl.u32 s6, $0x3  }
0x8: {  	s5 =	ssub.s32 s5, s31;
	s4 =	sadd.s32 s4, s6;
	s6 =	simm.s32 $0x200  }
0x9: {  	v0 =	vimm.s32 $0x0;
	v1 =	vimm.f32 $0.0e+00;
	v2 =	vimm.f32 $1.000000000e+00;
	s3 =	sadd.s32 s3, s8;
	s5 =	smax.u32 s5, $0x1;
	s8 =	simm.s32 $0x1  }
.LBB2_1:
0xa: {  	[tilespmem:s2], [sflag:$0x1] =	stream.strided.gather [hbm4b:s3+s6], $0x14000, s7, s6, $0x38;
	[tilespmem:$0x16000] =	vst v63  }
0xb: {  	_ =	swait.ge [sflag:s8], $0x14000  }
0xc: {  	s13 =	simm.s32 $0x0;
	[sflag:s8] =	ssyncset.done $0x0  }
0xd: {  	s14 =	simm.s32 $0x0;
	s15 =	simm.s32 $0x0;
	[sflag:s8] =	ssyncadd.s32 $0xFFFEC000  }
.LBB2_2:
0xe: {  	s16 =	sshra.s32 s15, $0x2  }
0xf: {  	v6 =	vld [tilespmem:s16+$0x0]  }
0x10: {  	v7 =	vld [tilespmem:s16+$0x200]  }
0x11: {  	v9 =	vld [tilespmem:s16+$0x400]  }
0x12: {  	v10 =	vld [tilespmem:s16+$0x600]  }
0x13: {  	v11 =	vld [tilespmem:s16+$0x800]  }
0x14: {  	v12 =	vld [tilespmem:s16+$0xA00]  }
0x15: {  	v13 =	vld [tilespmem:s16+$0xC00]  }
0x16: {  	v17 =	vld [tilespmem:s16+$0xE00]  }
0x17: {  	v20 =	vld [tilespmem:s16+$0x1000]  }
0x18: {  	v21 =	vld [tilespmem:s16+$0x1200]  }
0x19: {  	v24 =	vld [tilespmem:s16+$0x1400]  }
0x1a: {  	v28 =	vld [tilespmem:s16+$0x1600]  }
0x1b: {  	v29 =	vld [tilespmem:s16+$0x1800]  }
0x1c: {  	v30 =	vld [tilespmem:s16+$0x1A00]  }
0x1d: {  	v27 =	vld [tilespmem:s16+$0x1C00]  }
0x1e: {  	v18 =	vld [tilespmem:s16+$0x1E00]  }
0x1f: {  	v16 =	vld [tilespmem:s16+$0x2000]  }
0x20: {  	v23 =	vld [tilespmem:s16+$0x2200]  }
0x21: {  	v31 =	vld [tilespmem:s16+$0x2400]  }
0x22: {  	v32 =	vld [tilespmem:s16+$0x2600]  }
0x23: {  	v33 =	vld [tilespmem:s16+$0x2800]  }
0x24: {  	v34 =	vld [tilespmem:s16+$0x2A00]  }
0x25: {  	v35 =	vld [tilespmem:s16+$0x2C00]  }
0x26: {  	v36 =	vld [tilespmem:s16+$0x2E00]  }
0x27: {  	v37 =	vld [tilespmem:s16+$0x3000]  }
0x28: {  	v38 =	vld [tilespmem:s16+$0x3200]  }
0x29: {  	v39 =	vld [tilespmem:s16+$0x3400]  }
0x2a: {  	v40 =	vld [tilespmem:s16+$0x3600]  }
0x2b: {  	v41 =	vld [tilespmem:s16+$0x3800]  }
0x2c: {  	v42 =	vld [tilespmem:s16+$0x3A00]  }
0x2d: {  	v43 =	vld [tilespmem:s16+$0x3C00]  }
0x2e: {  	v25 =	vld [tilespmem:s16+$0x3E00]  }
0x2f: {  	v44 =	vld [tilespmem:s16+$0x4000]  }
0x30: {  	v45 =	vld [tilespmem:s16+$0x4200]  }
0x31: {  	v46 =	vld [tilespmem:s16+$0x4400]  }
0x32: {  	v47 =	vld [tilespmem:s16+$0x4600]  }
0x33: {  	v48 =	vld [tilespmem:s16+$0x4800]  }
0x34: {  	v49 =	vld [tilespmem:s16+$0x4A00]  }
0x35: {  	v50 =	vld [tilespmem:s16+$0x4C00]  }
0x36: {  	v26 =	vld [tilespmem:s16+$0x4E00]  }
0x37: {  	v22 =	vld [tilespmem:s16+$0x5000]  }
0x38: {  	v19 =	vld [tilespmem:s16+$0x5200]  }
0x39: {  	v14 =	vld [tilespmem:s16+$0x5400]  }
0x3a: {  	v15 =	vld [tilespmem:s16+$0x5600]  }
0x3b: {  	v8 =	vld [tilespmem:s16+$0x5800]  }
0x3c: {  	v5 =	vld [tilespmem:s16+$0x5A00]  }
0x3d: {  	v4 =	vld [tilespmem:s16+$0x5C00]  }
0x3e: {  	v3 =	vld [tilespmem:s16+$0x5E00]  }
0x3f: {  	v51 =	vld [tilespmem:s16+$0x6000]  }
0x40: {  	v52 =	vld [tilespmem:s16+$0x6200]  }
0x41: {  	v53 =	vld [tilespmem:s16+$0x6400]  }
0x42: {  	v54 =	vld [tilespmem:s16+$0x6600]  }
0x43: {  	v55 =	vld [tilespmem:s16+$0x6800];
	v6 =	vmul.f32 v6, v6  }
0x44: {  	v56 =	vld [tilespmem:s16+$0x6C00];
	v7 =	vmul.f32 v7, v7;
	v16 =	vmul.f32 v16, v16  }
0x45: {  	v57 =	vld [tilespmem:s16+$0x7000];
	v23 =	vmul.f32 v23, v23;
	v63 =	vmul.f32 v9, v9  }
0x46: {  	v58 =	vld [tilespmem:s16+$0x7400];
	v60 =	vmul.f32 v31, v31;
	v61 =	vmul.f32 v10, v10  }
0x47: {  	v31 =	vld [tilespmem:s16+$0x6A00];
	v62 =	vmul.f32 v32, v32;
	v59 =	vmul.f32 v34, v34  }
0x48: {  	v32 =	vld [tilespmem:s16+$0x6E00];
	v51 =	vmul.f32 v51, v51;
	v52 =	vmul.f32 v52, v52  }
0x49: {  	v34 =	vld [tilespmem:s16+$0x7600];
	v30 =	vmul.f32 v30, v30;
	v42 =	vmul.f32 v42, v42  }
0x4a: {  	v10 =	vld [tilespmem:s16+$0x7C00];
	v27 =	vmul.f32 v27, v27;
	v48 =	vmul.f32 v48, v48  }
0x4b: {  	v6 =	vadd.f32 v7, v6;
	v23 =	vadd.f32 v23, v16;
	v16 =	vmul.f32 v33, v33;
	v33 =	vld [tilespmem:s16+$0x7200]  }
0x4c: {  	v43 =	vmul.f32 v43, v43;
	v18 =	vmul.f32 v18, v18;
	v7 =	vld [tilespmem:s16+$0x7E00]  }
0x4d: {  	v6 =	vadd.f32 v63, v6;
	v9 =	vadd.f32 v60, v23;
	v60 =	vmul.f32 v13, v13;
	v13 =	vld [tilespmem:s16+$0x9600]  }
0x4e: {  	v63 =	vmul.f32 v11, v11;
	v23 =	vmul.f32 v12, v12;
	v11 =	vld [tilespmem:s16+$0x9800]  }
0x4f: {  	v12 =	vld [tilespmem:s16+$0x9A00];
	v6 =	vadd.f32 v61, v6;
	v9 =	vadd.f32 v62, v9;
	v61 =	vmul.f32 v35, v35  }
0x50: {  	v62 =	vmul.f32 v17, v17;
	v17 =	vmul.f32 v20, v20;
	v35 =	vld [tilespmem:s16+$0x8000]  }
0x51: {  	v20 =	vmul.f32 v37, v37;
	v37 =	vld [tilespmem:s16+$0x8400];
	v6 =	vadd.f32 v63, v6;
	v9 =	vadd.f32 v16, v9  }
0x52: {  	v25 =	vmul.f32 v25, v25;
	v26 =	vmul.f32 v26, v26;
	v16 =	vld [tilespmem:s16+$0x7A00]  }
0x53: {  	v63 =	vmul.f32 v36, v36;
	v36 =	vld [tilespmem:s16+$0x8200];
	v6 =	vadd.f32 v23, v6;
	v9 =	vadd.f32 v59, v9  }
0x54: {  	v22 =	vmul.f32 v22, v22;
	v19 =	vmul.f32 v19, v19;
	v23 =	vld [tilespmem:s16+$0x7800]  }
0x55: {  	v59 =	vmul.f32 v21, v21;
	v21 =	vld [tilespmem:s16+$0x9000];
	v6 =	vadd.f32 v60, v6;
	v9 =	vadd.f32 v61, v9  }
0x56: {  	v14 =	vmul.f32 v14, v14;
	v60 =	vmul.f32 v38, v38;
	v38 =	vld [tilespmem:s16+$0x8600]  }
0x57: {  	v61 =	vmul.f32 v24, v24;
	v24 =	vld [tilespmem:s16+$0x8E00];
	v6 =	vadd.f32 v62, v6;
	v9 =	vadd.f32 v63, v9  }
0x58: {  	v15 =	vmul.f32 v15, v15;
	v62 =	vmul.f32 v39, v39;
	v39 =	vld [tilespmem:s16+$0x8A00]  }
0x59: {  	v63 =	vmul.f32 v28, v28;
	v28 =	vld [tilespmem:s16+$0x8C00];
	v6 =	vadd.f32 v17, v6;
	v9 =	vadd.f32 v20, v9  }
0x5a: {  	v8 =	vmul.f32 v8, v8;
	v5 =	vmul.f32 v5, v5;
	v20 =	vld [tilespmem:s16+$0x9200]  }
0x5b: {  	v4 =	vmul.f32 v4, v4;
	v6 =	vadd.f32 v59, v6;
	v59 =	vld [tilespmem:s16+$0x8800];
	v9 =	vadd.f32 v60, v9  }
0x5c: {  	v31 =	vmul.f32 v31, v31;
	v60 =	vmul.f32 v41, v41;
	v41 =	vadd.f32 v52, v51;
	v52 =	vld [tilespmem:s16+$0xA200]  }
0x5d: {  	v17 =	vmul.f32 v40, v40;
	v9 =	vadd.f32 v62, v9;
	v62 =	vmul.f32 v45, v45;
	v45 =	vld [tilespmem:s16+$0xA000]  }
0x5e: {  	v33 =	vmul.f32 v33, v33;
	v6 =	vadd.f32 v61, v6;
	v61 =	vmul.f32 v44, v44;
	v44 =	vld [tilespmem:s16+$0xA400]  }
0x5f: {  	v7 =	vmul.f32 v7, v7;
	v40 =	vmul.f32 v29, v29;
	v9 =	vadd.f32 v17, v9;
	v17 =	vld [tilespmem:s16+$0x9400]  }
0x60: {  	v29 =	vadd.f32 v62, v61;
	v61 =	vmul.f32 v53, v53;
	v62 =	vmul.f32 v47, v47;
	v47 =	vld [tilespmem:s16+$0xAA00]  }
0x61: {  	v6 =	vadd.f32 v63, v6;
	v53 =	vmul.f32 v49, v49;
	v49 =	vmul.f32 v35, v35;
	v35 =	vld [tilespmem:s16+$0xC000]  }
0x62: {  	v13 =	vmul.f32 v13, v13;
	v11 =	vmul.f32 v11, v11;
	v63 =	vadd.f32 v60, v9;
	v9 =	vld [tilespmem:s16+$0x9C00]  }
0x63: {  	v6 =	vadd.f32 v40, v6;
	v41 =	vadd.f32 v61, v41;
	v61 =	vmul.f32 v32, v32;
	v32 =	vld [tilespmem:s16+$0xAE00]  }
0x64: {  	v60 =	vmul.f32 v46, v46;
	v46 =	vmul.f32 v28, v28;
	v28 =	vld [tilespmem:s16+$0xD200]  }
0x65: {  	v12 =	vmul.f32 v12, v12;
	v16 =	vmul.f32 v16, v16;
	v30 =	vadd.f32 v30, v6;
	v6 =	vld [tilespmem:s16+$0x9E00]  }
0x66: {  	v29 =	vadd.f32 v60, v29;
	v40 =	vadd.f32 v42, v63;
	v63 =	vmul.f32 v54, v54;
	v42 =	vld [tilespmem:s16+$0xA600]  }
0x67: {  	v54 =	vmul.f32 v50, v50;
	v50 =	vmul.f32 v36, v36;
	v36 =	vld [tilespmem:s16+$0xBC00];
	v27 =	vadd.f32 v27, v30  }
0x68: {  	v23 =	vmul.f32 v23, v23;
	v21 =	vmul.f32 v21, v21;
	v40 =	vadd.f32 v43, v40;
	v43 =	vld [tilespmem:s16+$0xA800]  }
0x69: {  	v24 =	vmul.f32 v24, v24;
	v29 =	vadd.f32 v62, v29;
	v18 =	vadd.f32 v18, v27;
	v27 =	vld [tilespmem:s16+$0xB000]  }
0x6a: {  	v51 =	vmul.f32 v55, v55;
	v41 =	vadd.f32 v63, v41;
	v25 =	vadd.f32 v25, v40;
	v40 =	vld [tilespmem:s16+$0xB200]  }
0x6b: {  	v55 =	vmul.f32 v56, v56;
	v29 =	vadd.f32 v48, v29;
	v48 =	vmul.f32 v34, v34;
	v34 =	vld [tilespmem:s16+$0xBA00]  }
0x6c: {  	v20 =	vmul.f32 v20, v20;
	v41 =	vadd.f32 v51, v41;
	v51 =	vmul.f32 v45, v45;
	v45 =	vld [tilespmem:s16+$0xBE00]  }
0x6d: {  	v62 =	vmul.f32 v57, v57;
	v57 =	vmul.f32 v42, v42;
	v42 =	vld [tilespmem:s16+$0xCE00];
	v29 =	vadd.f32 v53, v29  }
0x6e: {  	v31 =	vadd.f32 v31, v41;
	v53 =	vadd.f32 v50, v49;
	v49 =	vmul.f32 v10, v10;
	v10 =	vld [tilespmem:s16+$0xD600]  }
0x6f: {  	v52 =	vmul.f32 v52, v52;
	v50 =	vmul.f32 v32, v32;
	v32 =	vld [tilespmem:s16+$0x11800];
	v56 =	vadd.f32 v54, v29  }
0x70: {  	v59 =	vmul.f32 v59, v59;
	v17 =	vmul.f32 v17, v17;
	v29 =	vld [tilespmem:s16+$0xAC00];
	v60 =	vadd.f32 v55, v31  }
0x71: {  	v35 =	vmul.f32 v35, v35;
	vm0 =	vgt.f32 v18, $-1.000000000e+00;
	v31 =	vld [tilespmem:s16+$0xB600];
	v26 =	vadd.f32 v26, v56  }
0x72: {  	v41 =	vmul.f32 v58, v58;
	v54 =	vmul.f32 v37, v37;
	v37 =	vld [tilespmem:s16+$0xC200];
	v30 =	vadd.f32 v61, v60  }
0x73: {  	v18 =	vnsel vm0, $0xBF800000, v18;
	v56 =	vmul.f32 v38, v38;
	v38 =	vld [tilespmem:s16+$0xC400];
	v22 =	vadd.f32 v22, v26  }
0x74: {  	vm2 =	vgt.f32 v25, v18;
	v61 =	vmul.f32 v43, v43;
	v43 =	vld [tilespmem:s16+$0xEC00];
	v63 =	vadd.f32 v62, v30  }
0x75: {  	v55 =	vmul.f32 v44, v44;
	v18 =	vsel vm2, v25, v18;
	v26 =	vld [tilespmem:s16+$0xB400];
	v19 =	vadd.f32 v19, v22  }
0x76: {  	v30 =	vadd.f32 v52, v51;
	v62 =	vmul.f32 v39, v39;
	v39 =	vld [tilespmem:s16+$0xCC00];
	v25 =	vadd.f32 v33, v63  }
0x77: {  	v9 =	vmul.f32 v9, v9;
	v10 =	vmul.f32 v10, v10;
	v22 =	vld [tilespmem:s16+$0xB800];
	v14 =	vadd.f32 v14, v19  }
0x78: {  	v30 =	vadd.f32 v55, v30;
	v33 =	vld [tilespmem:s16+$0xCA00];
	v63 =	vmul.f32 v47, v47;
	v25 =	vadd.f32 v41, v25  }
0x79: {  	v55 =	vmul.f32 v40, v40;
	v41 =	vld [tilespmem:s16+$0xC600];
	v14 =	vadd.f32 v15, v14;
	v15 =	vadd.f32 v54, v53  }
0x7a: {  	v40 =	vmul.f32 v37, v37;
	v19 =	vld [tilespmem:s16+$0xC800];
	v60 =	vadd.f32 v57, v30;
	v25 =	vadd.f32 v48, v25  }
0x7b: {  	v37 =	vmul.f32 v43, v43;
	v30 =	vld [tilespmem:s16+$0x11600];
	v48 =	vmul.f32 v29, v29;
	v58 =	vadd.f32 v56, v15  }
0x7c: {  	v54 =	vmul.f32 v3, v3;
	v3 =	vld [tilespmem:s16+$0xDE00];
	v23 =	vadd.f32 v23, v25;
	v25 =	vadd.f32 v61, v60  }
0x7d: {  	v53 =	vmul.f32 v27, v27;
	v27 =	vsel vm2, $0x1, v0;
	v8 =	vadd.f32 v8, v14;
	v15 =	vld [tilespmem:s16+$0xD000]  }
0x7e: {  	v22 =	vmul.f32 v22, v22;
	v56 =	vld [tilespmem:s16+$0xE000];
	v14 =	vadd.f32 v59, v58;
	v47 =	vadd.f32 v63, v25  }
0x7f: {  	v61 =	vmul.f32 v31, v31;
	v5 =	vadd.f32 v5, v8;
	v16 =	vadd.f32 v16, v23;
	v59 =	vld [tilespmem:s16+$0xE200]  }
0x80: {  	v58 =	vmul.f32 v26, v26;
	v44 =	vadd.f32 v62, v14;
	v14 =	vld [tilespmem:s16+$0xD400];
	v23 =	vadd.f32 v48, v47  }
0x81: {  	v3 =	vmul.f32 v3, v3;
	v51 =	vadd.f32 v4, v5;
	v16 =	vadd.f32 v49, v16;
	v5 =	vld [tilespmem:s16+$0xDA00]  }
0x82: {  	v4 =	vld [tilespmem:s16+$0xDC00];
	v48 =	vadd.f32 v40, v35;
	v49 =	vmul.f32 v38, v38;
	v8 =	vadd.f32 v46, v44  }
0x83: {  	v47 =	vld [tilespmem:s16+$0xEE00];
	v35 =	vmul.f32 v42, v42;
	v15 =	vmul.f32 v15, v15;
	v23 =	vadd.f32 v50, v23  }
0x84: {  	v62 =	vld [tilespmem:s16+$0xE600];
	v25 =	vadd.f32 v54, v51;
	v46 =	vmul.f32 v34, v34;
	v52 =	vadd.f32 v24, v8  }
0x85: {  	v7 =	vadd.f32 v7, v16;
	v50 =	vld [tilespmem:s16+$0xF000];
	v51 =	vmul.f32 v56, v56;
	v54 =	vmul.f32 v36, v36  }
0x86: {  	v56 =	vmul.f32 v19, v19;
	v34 =	vld [tilespmem:s16+$0x10200];
	vm14 =	vgt.f32 v25, v18;
	v21 =	vadd.f32 v21, v52  }
0x87: {  	v36 =	vld [tilespmem:s16+$0x10400];
	v23 =	vadd.f32 v53, v23;
	v53 =	vmul.f32 v41, v41;
	v18 =	vsel vm14, v25, v18  }
0x88: {  	v8 =	vld [tilespmem:s16+$0xD800];
	v40 =	vmul.f32 v47, v47;
	v14 =	vmul.f32 v14, v14;
	v20 =	vadd.f32 v20, v21  }
0x89: {  	v41 =	vld [tilespmem:s16+$0x10600];
	v5 =	vmul.f32 v5, v5;
	v4 =	vmul.f32 v4, v4;
	v57 =	vadd.f32 v55, v23  }
0x8a: {  	v24 =	vld [tilespmem:s16+$0xF200];
	vm1 =	vgt.f32 v7, v18;
	v52 =	vmul.f32 v59, v59;
	v17 =	vadd.f32 v17, v20  }
0x8b: {  	v29 =	vld [tilespmem:s16+$0xF400];
	v59 =	vmul.f32 v6, v6;
	v18 =	vsel vm1, v7, v18;
	v16 =	vadd.f32 v58, v57  }
0x8c: {  	v60 =	vld [tilespmem:s16+$0xE400];
	v43 =	vmul.f32 v34, v34;
	v26 =	vmul.f32 v50, v50;
	v13 =	vadd.f32 v13, v17  }
0x8d: {  	v63 =	vld [tilespmem:s16+$0xE800];
	v47 =	vmul.f32 v36, v36;
	v58 =	vmul.f32 v62, v62;
	v16 =	vadd.f32 v61, v16  }
0x8e: {  	v38 =	vld [tilespmem:s16+$0x12000];
	v62 =	vmul.f32 v39, v39;
	v50 =	vmul.f32 v41, v41;
	v11 =	vadd.f32 v11, v13  }
0x8f: {  	v23 =	vld [tilespmem:s16+$0xEA00];
	v24 =	vmul.f32 v24, v24;
	v8 =	vmul.f32 v8, v8;
	v44 =	vadd.f32 v22, v16  }
0x90: {  	v6 =	vld [tilespmem:s16+$0xFE00];
	v41 =	vmul.f32 v32, v32;
	v11 =	vadd.f32 v12, v11;
	v12 =	vadd.f32 v49, v48  }
0x91: {  	v21 =	vld [tilespmem:s16+$0xF600];
	v20 =	vmul.f32 v60, v60;
	v60 =	vmul.f32 v33, v33;
	v7 =	vadd.f32 v46, v44  }
0x92: {  	v17 =	vmul.f32 v63, v63;
	v63 =	vld [tilespmem:s16+$0x10000];
	v9 =	vadd.f32 v9, v11;
	v55 =	vadd.f32 v53, v12  }
0x93: {  	v39 =	vld [tilespmem:s16+$0x12200];
	v61 =	vmul.f32 v45, v45;
	v16 =	vadd.f32 v52, v51;
	v57 =	vadd.f32 v54, v7  }
0x94: {  	v45 =	vmul.f32 v28, v28;
	v28 =	vld [tilespmem:s16+$0x13200];
	v11 =	vadd.f32 v56, v55;
	v9 =	vadd.f32 v59, v9  }
0x95: {  	v33 =	vmul.f32 v23, v23;
	v6 =	vmul.f32 v6, v6;
	v51 =	vld [tilespmem:s16+$0x12800];
	v16 =	vadd.f32 v20, v16  }
0x96: {  	v44 =	vld [tilespmem:s16+$0x12400];
	v19 =	vadd.f32 v61, v57;
	v11 =	vadd.f32 v60, v11;
	vm3 =	vgt.f32 v9, v18  }
0x97: {  	v46 =	vld [tilespmem:s16+$0x10800];
	v16 =	vadd.f32 v58, v16;
	v42 =	vmul.f32 v63, v63;
	v9 =	vsel vm3, v9, v18  }
0x98: {  	v48 =	vld [tilespmem:s16+$0x12600];
	v12 =	vmul.f32 v39, v39;
	v11 =	vadd.f32 v62, v11;
	vm15 =	vgt.f32 v19, v9  }
0x99: {  	v52 =	vld [tilespmem:s16+$0x10C00];
	v18 =	vmul.f32 v38, v38;
	v9 =	vsel vm15, v19, v9;
	v19 =	vadd.f32 v43, v42  }
0x9a: {  	v21 =	vmul.f32 v21, v21;
	v49 =	vld [tilespmem:s16+$0x10A00];
	v16 =	vadd.f32 v17, v16;
	v11 =	vadd.f32 v35, v11  }
0x9b: {  	v13 =	vld [tilespmem:s16+$0xF800];
	v23 =	vmul.f32 v44, v44;
	v12 =	vadd.f32 v12, v18;
	v19 =	vadd.f32 v47, v19  }
0x9c: {  	v53 =	vld [tilespmem:s16+$0x12A00];
	v17 =	vmul.f32 v46, v46;
	v16 =	vadd.f32 v33, v16;
	v11 =	vadd.f32 v15, v11  }
0x9d: {  	v56 =	vld [tilespmem:s16+$0x12C00];
	v55 =	vmul.f32 v48, v48;
	v12 =	vadd.f32 v23, v12;
	v19 =	vadd.f32 v50, v19  }
0x9e: {  	v54 =	vld [tilespmem:s16+$0x10E00];
	v22 =	vmul.f32 v51, v51;
	v16 =	vadd.f32 v37, v16;
	v11 =	vadd.f32 v45, v11  }
0x9f: {  	v57 =	vld [tilespmem:s16+$0x11000];
	v15 =	vmul.f32 v49, v49;
	v12 =	vadd.f32 v55, v12;
	v17 =	vadd.f32 v17, v19  }
0xa0: {  	v59 =	vmul.f32 v52, v52;
	v60 =	vld [tilespmem:s16+$0x12E00];
	v16 =	vadd.f32 v40, v16;
	v11 =	vadd.f32 v14, v11  }
0xa1: {  	v20 =	vmul.f32 v53, v53;
	v62 =	vld [tilespmem:s16+$0x11200];
	v61 =	vadd.f32 v22, v12;
	v15 =	vadd.f32 v15, v17  }
0xa2: {  	v63 =	vld [tilespmem:s16+$0x13000];
	v16 =	vadd.f32 v26, v16;
	v19 =	vmul.f32 v56, v56;
	v10 =	vadd.f32 v10, v11  }
0xa3: {  	v7 =	vld [tilespmem:s16+$0xFC00];
	v14 =	vmul.f32 v54, v54;
	v11 =	vadd.f32 v20, v61;
	v15 =	vadd.f32 v59, v15  }
0xa4: {  	v58 =	vmul.f32 v29, v29;
	v26 =	vmul.f32 v57, v57;
	v16 =	vadd.f32 v24, v16;
	v24 =	vld [tilespmem:s16+$0x11400]  }
0xa5: {  	v31 =	vld [tilespmem:s16+$0x13400];
	v18 =	vmul.f32 v60, v60;
	v29 =	vadd.f32 v19, v11;
	v14 =	vadd.f32 v14, v15  }
0xa6: {  	v25 =	vld [tilespmem:s16+$0xFA00];
	v13 =	vmul.f32 v13, v13;
	v12 =	vmul.f32 v62, v62;
	v8 =	vadd.f32 v8, v10  }
0xa7: {  	v34 =	vld [tilespmem:s16+$0x13600];
	v17 =	vmul.f32 v63, v63;
	v10 =	vadd.f32 v18, v29;
	v14 =	vadd.f32 v26, v14  }
0xa8: {  	v36 =	vld [tilespmem:s16+$0x11A00];
	v7 =	vmul.f32 v7, v7;
	v37 =	vmul.f32 v28, v28;
	v16 =	vadd.f32 v58, v16  }
0xa9: {  	v39 =	vld [tilespmem:s16+$0x11C00];
	v33 =	vmul.f32 v24, v24;
	v35 =	vadd.f32 v17, v10;
	v12 =	vadd.f32 v12, v14  }
0xaa: {  	v38 =	vld [tilespmem:s16+$0x13800];
	v16 =	vadd.f32 v21, v16;
	v11 =	vmul.f32 v30, v30;
	v5 =	vadd.f32 v5, v8  }
0xab: {  	v44 =	vld [tilespmem:s16+$0x11E00];
	v15 =	vmul.f32 v31, v31;
	v8 =	vadd.f32 v37, v35;
	v12 =	vadd.f32 v33, v12  }
0xac: {  	v53 =	vsel vm14, $0x2, v27;
	v40 =	vmul.f32 v25, v25;
	v42 =	vld [tilespmem:s16+$0x13A00];
	v13 =	vadd.f32 v13, v16  }
0xad: {  	v46 =	vld [tilespmem:s16+$0x13C00];
	v45 =	vmul.f32 v34, v34;
	v43 =	vadd.f32 v15, v8;
	v11 =	vadd.f32 v11, v12  }
0xae: {  	v13 =	vadd.f32 v40, v13;
	v4 =	vadd.f32 v4, v5;
	v10 =	vmul.f32 v36, v36  }
0xaf: {  	v50 =	vld [tilespmem:s16+$0x13E00];
	v14 =	vmul.f32 v38, v38;
	v5 =	vadd.f32 v45, v43;
	v11 =	vadd.f32 v41, v11  }
0xb0: {  	v47 =	vmul.f32 v39, v39;
	v7 =	vadd.f32 v7, v13;
	v3 =	vadd.f32 v3, v4  }
0xb1: {  	v49 =	vmul.f32 v42, v42;
	v48 =	vadd.f32 v14, v5;
	v10 =	vadd.f32 v10, v11  }
0xb2: {  	v51 =	vmul.f32 v44, v44;
	v52 =	vmul.f32 v46, v46;
	v6 =	vadd.f32 v6, v7  }
0xb3: {  	vm4 =	vgt.f32 v3, v9;
	v4 =	vadd.f32 v49, v48;
	v10 =	vadd.f32 v47, v10  }
0xb4: {  	v54 =	vmul.f32 v50, v50;
	v7 =	vsel vm1, $0x3, v53;
	v3 =	vsel vm4, v3, v9  }
0xb5: {  	vm5 =	vgt.f32 v6, v3;
	v4 =	vadd.f32 v52, v4;
	v5 =	vadd.f32 v51, v10  }
0xb6: {  	s31 =	sand.u32 $0x70, s14;
	s17 =	sand.u32 $0xC00, s13;
	v7 =	vsel vm3, $0x4, v7;
	v3 =	vsel vm5, v6, v3  }
0xb7: {  	s16 =	sor.u32 s31, s17;
	v55 =	vsel vm15, $0x5, v7;
	v4 =	vadd.f32 v54, v4;
	vm6 =	vgt.f32 v5, v3  }
0xb8: {  	[tilespmem:s16+$0x15100] =	vst v1;
	v6 =	vsel vm4, $0x6, v55;
	v3 =	vsel vm6, v5, v3  }
0xb9: {  	[tilespmem:s16+$0x15180] =	vst v1;
	v56 =	vsel vm5, $0x7, v6;
	vm7 =	vgt.f32 v4, v3  }
0xba: {  	[tilespmem:s16+$0x15200] =	vst v1;
	v3 =	vsel vm6, $0x8, v56;
	vm1 =	vmneg vm7  }
0xbb: {  	[tilespmem:s16+$0x15280] =	vst v1;
	v3 =	vnsel vm1, $0x9, v3  }
0xbc: {  	[tilespmem:s16+$0x15300] =	vst v1;
	vm8 =	veq.s32 v3, $0x0  }
0xbd: {  	[tilespmem:s16+$0x15380] =	vst v1;
	vm9 =	veq.s32 v3, $0x1;
	v57 =	vsel vm8, $0x3F800000, v1  }
0xbe: {  	vm10 =	veq.s32 v3, $0x2;
	v58 =	vsel vm9, $0x3F800000, v1;
	[tilespmem:s16+$0x14000] =	vst v57  }
0xbf: {  	vm11 =	veq.s32 v3, $0x3;
	v59 =	vsel vm10, $0x3F800000, v1;
	[tilespmem:s16+$0x14080] =	vst v58  }
0xc0: {  	vm12 =	veq.s32 v3, $0x4;
	v60 =	vsel vm11, $0x3F800000, v1;
	[tilespmem:s16+$0x14100] =	vst v59  }
0xc1: {  	vm13 =	veq.s32 v3, $0x5;
	v61 =	vsel vm12, $0x3F800000, v1;
	[tilespmem:s16+$0x14180] =	vst v60  }
0xc2: {  	p0 =	sne.s32 s15, $0x7C0;
	vm14 =	veq.s32 v3, $0x6;
	v62 =	vsel vm13, $0x3F800000, v1;
	[tilespmem:s16+$0x14200] =	vst v61  }
.Ltmp0:
0xc3: {  	vm15 =	veq.s32 v3, $0x7;
	v63 =	vsel vm14, $0x3F800000, v1;
	[tilespmem:s16+$0x14280] =	vst v62;
	(pc) =	sbr.rel @p0 .LBB2_2-.Ltmp0, $4  }
0xc4: {  	vm0 =	vmand vm6, vm1;
	v3 =	vsel vm15, $0x3F800000, v1;
	[tilespmem:s16+$0x14300] =	vst v63  }
0xc5: {  	[tilespmem:s16+$0x14380] =	vst v3;
	v3 =	vsel vm0, $0x3F800000, v1  }
0xc6: {  	[tilespmem:s16+$0x15000] =	vst v3;
	v3 =	vsel vm1, $0x0, v2  }
0xc7: {  	s14 =	sadd.s32 $0x10, s14;
	s13 =	sadd.s32 $0x80, s13;
	s15 =	sadd.s32 $0x40, s15;
	[tilespmem:s16+$0x15080] =	vst v3  }
0xc8: {  	s12 =	sadd.s32 $0x1, s12  }
0xc9: {  	p0 =	sne.s32 s12, s5  }
.Ltmp1:
0xca: {  	_ = 	snop;
	(pc) =	sbr.rel @p0 .LBB2_1-.Ltmp1, $4  }
0xcb: {  	[hbm4b:s4+s9] =	stream.strided.scatter [tilespmem:s11], [sflag:$0x1], $0x2000, s10, s9, $0x38;
	[tilespmem:$0x16000] =	vst v63  }
0xcc: {  	_ =	swait.ge [sflag:s8], $0x2000  }
0xcd: {  	[sflag:s8] =	ssyncset.done $0x0  }
0xce: {  	[sflag:s8] =	ssyncadd.s32 $0xFFFFE000  }
0xcf: {  	_ =	sfence.sel $0x180000  }
0xd0: {  	[bflag:$0x0] =	sbarrier.arrive $0xFFFF  }
0xd1: {  	p0 =	sne.s32 s1, $0x0;
	_ =	strace $0x90000047  }
0xd2: {  	s0 =	sadd.s32 @!p0 $0x100000, s0;
	[bflag:$0x2] =	sbarrier.arrive $0xFFFF  }
0xd3: {  	[sflag:s0] =	ssyncadd.tile.s32 @!p0 $0x1;
	_ =	shalt  }
.Lfunc_end2:
_tile_overlayer_lowered:
.L_overlay_start_2:
0xd4: {  	(tag) =	ssettag $0x2  }
0xd5: {  	s0 =	rddreg [dreg:$0x0];
	s2 =	stileid.u32  }
0xd6: {  	s1 =	rddreg [dreg:$0x1];
	p0 =	sne.s32 s2, $0x0  }
0xd7: {  	s3 =	rddreg [dreg:$0x2];
	[bflag:$0x3] =	sbarrier.arrive $0xFFFF;
	s2 =	simm.s32 @!p0 $0x1C01  }
0xd8: {  	[timem:s3], [sflag:s2] =	dma.local @!p0 [hbm:s0], s1  }
0xd9: {  	s0 =	simm.s32 @!p0 $0x1  }
0xda: {  	_ =	swait.ge @!p0 [sflag:s0], s1  }
0xdb: {  	s1 =	ssub.s32 @!p0 $0x0, s1;
	[sflag:s0] =	ssyncset.done @!p0 $0x0  }
0xdc: {  	[sflag:s0] =	ssyncadd.s32 @!p0 s1  }
0xdd: {  	[bflag:$0x3] =	sbarrier.arrive $0xFFFF  }
0xde: {  	_ =	shalt  }

</sc_bundles>
